<compile_context>
chip_gen: v7x
topology: tpu7x:2x2x1
jax: 0.10.2.dev20260603
libtpu: 0.0.44.dev20260713+nightly
codegen_flags: <defaults>
</compile_context>

<pallas_src>
import functools

import jax
import jax.numpy as jnp
from jax import lax
from jax.experimental import pallas as pl
from jax.experimental.pallas import tpu as pltpu
from jax.experimental.pallas import tpu_sc as plsc

N_NODES = 10000
N_EDGES = 320000
D_IN = 128
D_HID = 128
D_OUT = 64

NC = 2
NS = 16
NW = NC * NS
B = 128
NB = 1
G1 = 32
T1 = G1 * -(-N_EDGES // (NS * B * G1))
T2 = T1 // 2
G2 = T2
E_PAD = NS * T1 * B
N_PAD = 10240
RPS = N_PAD // NS
ZCH = RPS // B
HA = 80


def _sc_agg_body(H, T, GI, col_split, spmem_src, *refs):
    if spmem_src:
        (z_hbm, src_hbm, dst_hbm, zrows_hbm,
         acc_out, srcb, dstb, rows, acc_sh, z_sh, gsem0) = refs
    else:
        (z_hbm, src_hbm, dst_hbm, zrows_hbm,
         acc_out, srcb, dstb, rows, acc_sh, gsem0) = refs
    c = lax.axis_index("c")
    s = lax.axis_index("s")

    pltpu.sync_copy(zrows_hbm, rows.at[0])

    def zbody(i, _):
        pltpu.sync_copy(rows.at[0], acc_sh.at[pl.ds(s * RPS + i * B, B)])
        return _

    lax.fori_loop(0, ZCH, zbody, None)

    stage_src = z_hbm.at[c] if col_split else z_hbm
    if spmem_src:
        def sbody(i, _):
            r0 = s * RPS + i * B
            pltpu.sync_copy(stage_src.at[pl.ds(r0, B)], rows.at[0])
            pltpu.sync_copy(rows.at[0], z_sh.at[pl.ds(r0, B)])
            return _

        lax.fori_loop(0, ZCH, sbody, None)
        gather_src = z_sh
    else:
        gather_src = stage_src

    chunk = s if col_split else s * NC + c
    plsc.subcore_barrier()

    def gbody(g, _):
        pltpu.sync_copy(src_hbm.at[chunk].at[pl.ds(g * GI, GI)], srcb)
        pltpu.sync_copy(dst_hbm.at[chunk].at[pl.ds(g * GI, GI)], dstb)

        def ebody(k, _):
            pltpu.async_copy(
                gather_src.at[srcb.at[k]], rows.at[0], gsem0).wait()
            pltpu.sync_copy(rows.at[0], acc_sh.at[dstb.at[k]], add=True)
            return _

        lax.fori_loop(0, GI, ebody, None)
        return _

    lax.fori_loop(0, T // GI, gbody, None)
    plsc.subcore_barrier()

    def obody(i, _):
        r0 = s * RPS + i * B
        pltpu.sync_copy(acc_sh.at[pl.ds(r0, B)], rows.at[0])
        pltpu.sync_copy(rows.at[0], acc_out.at[c].at[pl.ds(r0, B)])
        return _

    lax.fori_loop(0, ZCH, obody, None)


def _make_sc_agg(H, T, GI, col_split, spmem_src=False):
    mesh = plsc.VectorSubcoreMesh(core_axis_name="c", subcore_axis_name="s")
    scratch = [
        pltpu.VMEM((GI, B), jnp.int32),
        pltpu.VMEM((GI, B), jnp.int32),
        pltpu.VMEM((NB, B, H), jnp.float32),
        pltpu.VMEM_SHARED((N_PAD, H), jnp.float32),
    ]
    if spmem_src:
        scratch.append(pltpu.VMEM_SHARED((N_PAD, H), jnp.float32))
    scratch.append(pltpu.SemaphoreType.DMA)
    return pl.kernel(
        functools.partial(_sc_agg_body, H, T, GI, col_split, spmem_src),
        out_type=(jax.ShapeDtypeStruct((NC, N_PAD, H), jnp.float32),),
        mesh=mesh,
        scratch_types=tuple(scratch),
        compiler_params=pltpu.CompilerParams(use_tc_tiling_on_sc=False),
    )


def _tc_mid_body(x_ref, acc_ref, ws1, wn1, b1, ws2, wn2, b2,
                 z2_ref, s2_ref):
    x = x_ref[...]
    agg = jnp.concatenate([acc_ref[0, :, :64], acc_ref[1, :, :64]], axis=-1)
    deg = jnp.maximum(acc_ref[0, :, 64:65], 1.0)
    h_n = agg / deg
    dot = functools.partial(jnp.dot, precision=lax.Precision.HIGHEST,
                            preferred_element_type=jnp.float32)
    h1 = dot(x, ws1[...]) + dot(h_n, wn1[...]) + b1[...]
    h1 = jnp.maximum(h1, 0.0)
    z2_ref[...] = dot(h1, wn2[...])
    s2_ref[...] = dot(h1, ws2[...]) + b2[...]


def _tc_out_body(acc2_ref, acc1_ref, s2_ref, out_ref):
    agg = acc2_ref[0] + acc2_ref[1]
    deg = jnp.maximum(acc1_ref[0, :, 64:65], 1.0)
    out_ref[...] = s2_ref[...] + agg / deg


_R = 1000


def kernel(node_features, edge_index, W_self1, W_neigh1, b1,
           W_self2, W_neigh2, b2):
    src = edge_index[0].astype(jnp.int32)
    dst = edge_index[1].astype(jnp.int32)
    pad = E_PAD - N_EDGES
    src_p = jnp.concatenate([src, jnp.zeros((pad,), jnp.int32)])
    dst_p = jnp.concatenate([dst, jnp.full((pad,), N_NODES, jnp.int32)])
    src_a, dst_a = src_p.reshape(NS, T1, B), dst_p.reshape(NS, T1, B)
    src_b, dst_b = src_p.reshape(NW, T2, B), dst_p.reshape(NW, T2, B)

    one = jnp.ones((N_NODES, 1), jnp.float32)
    zpad = jnp.zeros((N_NODES, HA - 65), jnp.float32)
    x_aug = jnp.stack([
        jnp.concatenate([node_features[:, :64], one, zpad], axis=1),
        jnp.concatenate([node_features[:, 64:], one, zpad], axis=1),
    ])
    x_aug = jnp.pad(x_aug, ((0, 0), (0, N_PAD - N_NODES), (0, 0)))

    (acc1,) = _make_sc_agg(HA, T1, G1, True, spmem_src=True)(
        x_aug, src_a, dst_a, jnp.zeros((B, HA), jnp.float32))

    grid = N_NODES // _R
    full = lambda i: (0, 0)
    z2, s2 = pl.pallas_call(
        _tc_mid_body,
        grid=(grid,),
        in_specs=[
            pl.BlockSpec((_R, D_IN), lambda i: (i, 0)),
            pl.BlockSpec((NC, _R, HA), lambda i: (0, i, 0)),
            pl.BlockSpec((D_IN, D_HID), full),
            pl.BlockSpec((D_IN, D_HID), full),
            pl.BlockSpec((1, D_HID), full),
            pl.BlockSpec((D_HID, D_OUT), full),
            pl.BlockSpec((D_HID, D_OUT), full),
            pl.BlockSpec((1, D_OUT), full),
        ],
        out_specs=[
            pl.BlockSpec((_R, D_OUT), lambda i: (i, 0)),
            pl.BlockSpec((_R, D_OUT), lambda i: (i, 0)),
        ],
        out_shape=[
            jax.ShapeDtypeStruct((N_NODES, D_OUT), jnp.float32),
            jax.ShapeDtypeStruct((N_NODES, D_OUT), jnp.float32),
        ],
    )(node_features, acc1, W_self1, W_neigh1, b1.reshape(1, D_HID),
      W_self2, W_neigh2, b2.reshape(1, D_OUT))

    z2_pad = jnp.pad(z2, ((0, N_PAD - N_NODES), (0, 0)))
    (acc2,) = _make_sc_agg(D_OUT, T2, G2, False, spmem_src=True)(
        z2_pad, src_b, dst_b, jnp.zeros((B, D_OUT), jnp.float32))

    out = pl.pallas_call(
        _tc_out_body,
        grid=(grid,),
        in_specs=[
            pl.BlockSpec((NC, _R, D_OUT), lambda i: (0, i, 0)),
            pl.BlockSpec((NC, _R, HA), lambda i: (0, i, 0)),
            pl.BlockSpec((_R, D_OUT), lambda i: (i, 0)),
        ],
        out_specs=pl.BlockSpec((_R, D_OUT), lambda i: (i, 0)),
        out_shape=jax.ShapeDtypeStruct((N_NODES, D_OUT), jnp.float32),
    )(acc2, acc1, s2)
    return out

# --- scband reference (transcript-rebuilt; emitter-appended) ---
"""Pipeline reference for scband-graph-policy-network-48344151884052 (READ-ONLY COPY).

The authoritative reference and input builder live on the scoring server;
editing this copy changes nothing except your own understanding.
"""

import jax, jax.numpy as jnp
import numpy as np

N_NODES = 10000
N_EDGES = 320000
D_IN = 128
D_HID = 128
D_OUT = 64


def setup_inputs(seed: int = 0) -> dict:
    key = jax.random.key(seed)
    ks = jax.random.split(key, 9)
    node_features = jax.random.normal(ks[0], (N_NODES, D_IN), dtype=jnp.float32)
    edge_index = jax.random.randint(ks[1], (2, N_EDGES), 0, N_NODES, dtype=jnp.int64)
    s1 = 1.0 / np.sqrt(D_IN)
    s2 = 1.0 / np.sqrt(D_HID)
    W_self1 = jax.random.uniform(ks[2], (D_IN, D_HID), dtype=jnp.float32, minval=-s1, maxval=s1)
    W_neigh1 = jax.random.uniform(ks[3], (D_IN, D_HID), dtype=jnp.float32, minval=-s1, maxval=s1)
    b1 = jnp.zeros((D_HID,), dtype=jnp.float32)
    W_self2 = jax.random.uniform(ks[4], (D_HID, D_OUT), dtype=jnp.float32, minval=-s2, maxval=s2)
    W_neigh2 = jax.random.uniform(ks[5], (D_HID, D_OUT), dtype=jnp.float32, minval=-s2, maxval=s2)
    b2 = jnp.zeros((D_OUT,), dtype=jnp.float32)
    return {
        "node_features": node_features,
        "edge_index": edge_index,
        "W_self1": W_self1,
        "W_neigh1": W_neigh1,
        "b1": b1,
        "W_self2": W_self2,
        "W_neigh2": W_neigh2,
        "b2": b2,
    }


def _sage_mean_layer(x, src, dst, W_self, W_neigh, b):
    # mean aggregation of neighbor messages (src -> dst)
    msgs = jnp.take(x, src, axis=0)
    summed = jax.ops.segment_sum(msgs, dst, num_segments=N_NODES)
    deg = jax.ops.segment_sum(jnp.ones((src.shape[0], 1), dtype=x.dtype), dst, num_segments=N_NODES)
    h_neigh = summed / jnp.maximum(deg, 1.0)
    return x @ W_self + h_neigh @ W_neigh + b


def reference(node_features, edge_index, W_self1, W_neigh1, b1, W_self2, W_neigh2, b2):
    src = edge_index[0]
    dst = edge_index[1]
    hidden = _sage_mean_layer(node_features, src, dst, W_self1, W_neigh1, b1)
    hidden = jax.nn.relu(hidden)
    output_logits = _sage_mean_layer(hidden, src, dst, W_self2, W_neigh2, b2)
    return output_logits

if __name__ == "__main__":
    import jax
    _d = setup_inputs()
    print(jax.jit(kernel)(*tuple(_d.values())))

</pallas_src>

<mosaic_0001>
#map = affine_map<(d0, d1) -> (0, 0, 0)>
#map1 = affine_map<(d0, d1) -> (0, 0)>
module attributes {stable_mosaic.version = 14 : i64} {
  func.func @_sc_agg_body(%arg0: i32, %arg1: i32, %arg2: memref<2x10240x80xf32, #tpu.memory_space<hbm>>, %arg3: memref<16x160x128xi32, #tpu.memory_space<hbm>>, %arg4: memref<16x160x128xi32, #tpu.memory_space<hbm>>, %arg5: memref<128x80xf32, #tpu.memory_space<hbm>>, %arg6: memref<2x10240x80xf32, #tpu.memory_space<hbm>>, %arg7: memref<32x128xi32, #tpu.memory_space<vmem>>, %arg8: memref<32x128xi32, #tpu.memory_space<vmem>>, %arg9: memref<1x128x80xf32, #tpu.memory_space<vmem>>, %arg10: memref<10240x80xf32, #tpu.memory_space<vmem_shared>>, %arg11: memref<10240x80xf32, #tpu.memory_space<vmem_shared>>, %arg12: memref<!tpu.dma_semaphore, #tpu.memory_space<semaphore_mem>>) attributes {dimension_semantics = [#tpu.dimension_semantics<core_parallel>, #tpu.dimension_semantics<subcore_parallel>], iteration_bounds = array<i64: 2, 16>, scalar_prefetch = 0 : i64, scratch_operands = 6 : i64, tpu.core_type = #tpu.core_type<sc_vector_subcore>, window_params = [{transform_indices = #map}, {transform_indices = #map}, {transform_indices = #map}, {transform_indices = #map1}, {transform_indices = #map}]} {
    %run_scoped3A = arith.constant 0 : i32
    "tpu.region"() ({
      %run_scoped3A_20 = tpu.sem_alloc : memref<!tpu.dma_semaphore, #tpu.memory_space<semaphore_mem>>
      %dma_start3A = arith.constant 0 : i32
      %dma_start3A_21 = arith.constant 0 : i32
      %dma_start3A_22 = tpu.memref_slice %arg9[%run_scoped3A, %dma_start3A, %dma_start3A_21] : memref<1x128x80xf32, #tpu.memory_space<vmem>> -> memref<1x128x80xf32, #tpu.memory_space<vmem>>
      %dma_start3A_23 = tpu.memref_squeeze %dma_start3A_22 : memref<1x128x80xf32, #tpu.memory_space<vmem>> -> memref<128x80xf32, #tpu.memory_space<vmem>>
      %dma_start3A_24 = arith.constant 0 : i32
      %dma_start3A_25 = arith.constant 0 : i32
      %dma_start3A_26 = tpu.memref_slice %arg9[%run_scoped3A, %dma_start3A_24, %dma_start3A_25] : memref<1x128x80xf32, #tpu.memory_space<vmem>> -> memref<1x128x80xf32, #tpu.memory_space<vmem>>
      %dma_start3A_27 = tpu.memref_squeeze %dma_start3A_26 : memref<1x128x80xf32, #tpu.memory_space<vmem>> -> memref<128x80xf32, #tpu.memory_space<vmem>>
      tpu.enqueue_dma source(%arg5 : memref<128x80xf32, #tpu.memory_space<hbm>>) target(%dma_start3A_27 : memref<128x80xf32, #tpu.memory_space<vmem>>) target_semaphore(%run_scoped3A_20 : memref<!tpu.dma_semaphore, #tpu.memory_space<semaphore_mem>>)
      %dma_wait3A = arith.constant 0 : i32
      %dma_wait3A_28 = arith.constant 0 : i32
      %dma_wait3A_29 = tpu.memref_slice %arg9[%run_scoped3A, %dma_wait3A, %dma_wait3A_28] : memref<1x128x80xf32, #tpu.memory_space<vmem>> -> memref<1x128x80xf32, #tpu.memory_space<vmem>>
      %dma_wait3A_30 = tpu.memref_squeeze %dma_wait3A_29 : memref<1x128x80xf32, #tpu.memory_space<vmem>> -> memref<128x80xf32, #tpu.memory_space<vmem>>
      %dma_wait3A_31 = arith.constant 0 : i32
      %dma_wait3A_32 = arith.constant 0 : i32
      %dma_wait3A_33 = tpu.memref_slice %arg9[%run_scoped3A, %dma_wait3A_31, %dma_wait3A_32] : memref<1x128x80xf32, #tpu.memory_space<vmem>> -> memref<1x128x80xf32, #tpu.memory_space<vmem>>
      %dma_wait3A_34 = tpu.memref_squeeze %dma_wait3A_33 : memref<1x128x80xf32, #tpu.memory_space<vmem>> -> memref<128x80xf32, #tpu.memory_space<vmem>>
      tpu.wait_dma2 semaphore(%run_scoped3A_20 : memref<!tpu.dma_semaphore, #tpu.memory_space<semaphore_mem>>) src(%arg5 : memref<128x80xf32, #tpu.memory_space<hbm>>) dst(%dma_wait3A_34 : memref<128x80xf32, #tpu.memory_space<vmem>>)
      tpu.yield
    }) : () -> ()
    %scan3A = arith.constant 0 : i32
    %scan3A_0 = arith.constant 5 : i32
    %scan3A_1 = arith.addi %scan3A, %scan3A_0 : i32
    %scan3A_2 = arith.constant 1 : i32
    scf.for %scan3A_20 = %scan3A to %scan3A_1 step %scan3A_2  : i32 {
      %mul3A = arith.constant 640 : i32
      %mul3A_21 = arith.muli %arg1, %mul3A : i32
      %mul3A_22 = arith.constant 128 : i32
      %mul3A_23 = arith.muli %scan3A_20, %mul3A_22 : i32
      %add3A = arith.addi %mul3A_21, %mul3A_23 : i32
      %run_scoped3A_24 = arith.constant 0 : i32
      "tpu.region"() ({
        %run_scoped3A_25 = tpu.sem_alloc : memref<!tpu.dma_semaphore, #tpu.memory_space<semaphore_mem>>
        %dma_start3A = arith.constant 0 : i32
        %dma_start3A_26 = arith.constant 0 : i32
        %dma_start3A_27 = tpu.memref_slice %arg9[%run_scoped3A_24, %dma_start3A, %dma_start3A_26] : memref<1x128x80xf32, #tpu.memory_space<vmem>> -> memref<1x128x80xf32, #tpu.memory_space<vmem>>
        %dma_start3A_28 = tpu.memref_squeeze %dma_start3A_27 : memref<1x128x80xf32, #tpu.memory_space<vmem>> -> memref<128x80xf32, #tpu.memory_space<vmem>>
        %dma_start3A_29 = arith.constant 0 : i32
        %dma_start3A_30 = tpu.memref_slice %arg10[%add3A, %dma_start3A_29] : memref<10240x80xf32, #tpu.memory_space<vmem_shared>> -> memref<128x80xf32, #tpu.memory_space<vmem_shared>>
        %dma_start3A_31 = arith.constant 0 : i32
        %dma_start3A_32 = tpu.memref_slice %arg10[%add3A, %dma_start3A_31] : memref<10240x80xf32, #tpu.memory_space<vmem_shared>> -> memref<128x80xf32, #tpu.memory_space<vmem_shared>>
        %dma_start3A_33 = arith.constant 0 : i32
        %dma_start3A_34 = arith.constant 0 : i32
        %dma_start3A_35 = tpu.memref_slice %arg9[%run_scoped3A_24, %dma_start3A_33, %dma_start3A_34] : memref<1x128x80xf32, #tpu.memory_space<vmem>> -> memref<1x128x80xf32, #tpu.memory_space<vmem>>
        %dma_start3A_36 = tpu.memref_squeeze %dma_start3A_35 : memref<1x128x80xf32, #tpu.memory_space<vmem>> -> memref<128x80xf32, #tpu.memory_space<vmem>>
        tpu.enqueue_dma source(%dma_start3A_36 : memref<128x80xf32, #tpu.memory_space<vmem>>) target(%dma_start3A_32 : memref<128x80xf32, #tpu.memory_space<vmem_shared>>) target_semaphore(%run_scoped3A_25 : memref<!tpu.dma_semaphore, #tpu.memory_space<semaphore_mem>>)
        %dma_wait3A = arith.constant 0 : i32
        %dma_wait3A_37 = arith.constant 0 : i32
        %dma_wait3A_38 = tpu.memref_slice %arg9[%run_scoped3A_24, %dma_wait3A, %dma_wait3A_37] : memref<1x128x80xf32, #tpu.memory_space<vmem>> -> memref<1x128x80xf32, #tpu.memory_space<vmem>>
        %dma_wait3A_39 = tpu.memref_squeeze %dma_wait3A_38 : memref<1x128x80xf32, #tpu.memory_space<vmem>> -> memref<128x80xf32, #tpu.memory_space<vmem>>
        %dma_wait3A_40 = arith.constant 0 : i32
        %dma_wait3A_41 = tpu.memref_slice %arg10[%add3A, %dma_wait3A_40] : memref<10240x80xf32, #tpu.memory_space<vmem_shared>> -> memref<128x80xf32, #tpu.memory_space<vmem_shared>>
        %dma_wait3A_42 = arith.constant 0 : i32
        %dma_wait3A_43 = tpu.memref_slice %arg10[%add3A, %dma_wait3A_42] : memref<10240x80xf32, #tpu.memory_space<vmem_shared>> -> memref<128x80xf32, #tpu.memory_space<vmem_shared>>
        %dma_wait3A_44 = arith.constant 0 : i32
        %dma_wait3A_45 = arith.constant 0 : i32
        %dma_wait3A_46 = tpu.memref_slice %arg9[%run_scoped3A_24, %dma_wait3A_44, %dma_wait3A_45] : memref<1x128x80xf32, #tpu.memory_space<vmem>> -> memref<1x128x80xf32, #tpu.memory_space<vmem>>
        %dma_wait3A_47 = tpu.memref_squeeze %dma_wait3A_46 : memref<1x128x80xf32, #tpu.memory_space<vmem>> -> memref<128x80xf32, #tpu.memory_space<vmem>>
        tpu.wait_dma2 semaphore(%run_scoped3A_25 : memref<!tpu.dma_semaphore, #tpu.memory_space<semaphore_mem>>) src(%dma_wait3A_47 : memref<128x80xf32, #tpu.memory_space<vmem>>) dst(%dma_wait3A_43 : memref<128x80xf32, #tpu.memory_space<vmem_shared>>)
        tpu.yield
      }) : () -> ()
    }
    %scan3A_3 = arith.constant 5 : i32
    %scan3A_4 = arith.constant 0 : i32
    %scan3A_5 = arith.constant 5 : i32
    %scan3A_6 = arith.addi %scan3A_4, %scan3A_5 : i32
    %scan3A_7 = arith.constant 1 : i32
    scf.for %scan3A_20 = %scan3A_4 to %scan3A_6 step %scan3A_7  : i32 {
      %mul3A = arith.constant 640 : i32
      %mul3A_21 = arith.muli %arg1, %mul3A : i32
      %mul3A_22 = arith.constant 128 : i32
      %mul3A_23 = arith.muli %scan3A_20, %mul3A_22 : i32
      %add3A = arith.addi %mul3A_21, %mul3A_23 : i32
      %run_scoped3A_24 = arith.constant 0 : i32
      "tpu.region"() ({
        %run_scoped3A_26 = tpu.sem_alloc : memref<!tpu.dma_semaphore, #tpu.memory_space<semaphore_mem>>
        %dma_start3A = arith.constant 0 : i32
        %dma_start3A_27 = arith.constant 0 : i32
        %dma_start3A_28 = tpu.memref_slice %arg9[%run_scoped3A_24, %dma_start3A, %dma_start3A_27] : memref<1x128x80xf32, #tpu.memory_space<vmem>> -> memref<1x128x80xf32, #tpu.memory_space<vmem>>
        %dma_start3A_29 = tpu.memref_squeeze %dma_start3A_28 : memref<1x128x80xf32, #tpu.memory_space<vmem>> -> memref<128x80xf32, #tpu.memory_space<vmem>>
        %dma_start3A_30 = arith.constant 0 : i32
        %dma_start3A_31 = arith.constant 0 : i32
        %dma_start3A_32 = tpu.memref_slice %arg2[%arg0, %dma_start3A_30, %dma_start3A_31] : memref<2x10240x80xf32, #tpu.memory_space<hbm>> -> memref<1x10240x80xf32, #tpu.memory_space<hbm>>
        %dma_start3A_33 = tpu.memref_squeeze %dma_start3A_32 : memref<1x10240x80xf32, #tpu.memory_space<hbm>> -> memref<10240x80xf32, #tpu.memory_space<hbm>>
        %dma_start3A_34 = arith.constant 0 : i32
        %dma_start3A_35 = tpu.memref_slice %dma_start3A_33[%add3A, %dma_start3A_34] : memref<10240x80xf32, #tpu.memory_space<hbm>> -> memref<128x80xf32, #tpu.memory_space<hbm>>
        %dma_start3A_36 = arith.constant 0 : i32
        %dma_start3A_37 = arith.constant 0 : i32
        %dma_start3A_38 = tpu.memref_slice %arg9[%run_scoped3A_24, %dma_start3A_36, %dma_start3A_37] : memref<1x128x80xf32, #tpu.memory_space<vmem>> -> memref<1x128x80xf32, #tpu.memory_space<vmem>>
        %dma_start3A_39 = tpu.memref_squeeze %dma_start3A_38 : memref<1x128x80xf32, #tpu.memory_space<vmem>> -> memref<128x80xf32, #tpu.memory_space<vmem>>
        %dma_start3A_40 = arith.constant 0 : i32
        %dma_start3A_41 = arith.constant 0 : i32
        %dma_start3A_42 = tpu.memref_slice %arg2[%arg0, %dma_start3A_40, %dma_start3A_41] : memref<2x10240x80xf32, #tpu.memory_space<hbm>> -> memref<1x10240x80xf32, #tpu.memory_space<hbm>>
        %dma_start3A_43 = tpu.memref_squeeze %dma_start3A_42 : memref<1x10240x80xf32, #tpu.memory_space<hbm>> -> memref<10240x80xf32, #tpu.memory_space<hbm>>
        %dma_start3A_44 = arith.constant 0 : i32
        %dma_start3A_45 = tpu.memref_slice %dma_start3A_43[%add3A, %dma_start3A_44] : memref<10240x80xf32, #tpu.memory_space<hbm>> -> memref<128x80xf32, #tpu.memory_space<hbm>>
        tpu.enqueue_dma source(%dma_start3A_45 : memref<128x80xf32, #tpu.memory_space<hbm>>) target(%dma_start3A_39 : memref<128x80xf32, #tpu.memory_space<vmem>>) target_semaphore(%run_scoped3A_26 : memref<!tpu.dma_semaphore, #tpu.memory_space<semaphore_mem>>)
        %dma_wait3A = arith.constant 0 : i32
        %dma_wait3A_46 = arith.constant 0 : i32
        %dma_wait3A_47 = tpu.memref_slice %arg9[%run_scoped3A_24, %dma_wait3A, %dma_wait3A_46] : memref<1x128x80xf32, #tpu.memory_space<vmem>> -> memref<1x128x80xf32, #tpu.memory_space<vmem>>
        %dma_wait3A_48 = tpu.memref_squeeze %dma_wait3A_47 : memref<1x128x80xf32, #tpu.memory_space<vmem>> -> memref<128x80xf32, #tpu.memory_space<vmem>>
        %dma_wait3A_49 = arith.constant 0 : i32
        %dma_wait3A_50 = arith.constant 0 : i32
        %dma_wait3A_51 = tpu.memref_slice %arg2[%arg0, %dma_wait3A_49, %dma_wait3A_50] : memref<2x10240x80xf32, #tpu.memory_space<hbm>> -> memref<1x10240x80xf32, #tpu.memory_space<hbm>>
        %dma_wait3A_52 = tpu.memref_squeeze %dma_wait3A_51 : memref<1x10240x80xf32, #tpu.memory_space<hbm>> -> memref<10240x80xf32, #tpu.memory_space<hbm>>
        %dma_wait3A_53 = arith.constant 0 : i32
        %dma_wait3A_54 = tpu.memref_slice %dma_wait3A_52[%add3A, %dma_wait3A_53] : memref<10240x80xf32, #tpu.memory_space<hbm>> -> memref<128x80xf32, #tpu.memory_space<hbm>>
        %dma_wait3A_55 = arith.constant 0 : i32
        %dma_wait3A_56 = arith.constant 0 : i32
        %dma_wait3A_57 = tpu.memref_slice %arg9[%run_scoped3A_24, %dma_wait3A_55, %dma_wait3A_56] : memref<1x128x80xf32, #tpu.memory_space<vmem>> -> memref<1x128x80xf32, #tpu.memory_space<vmem>>
        %dma_wait3A_58 = tpu.memref_squeeze %dma_wait3A_57 : memref<1x128x80xf32, #tpu.memory_space<vmem>> -> memref<128x80xf32, #tpu.memory_space<vmem>>
        %dma_wait3A_59 = arith.constant 0 : i32
        %dma_wait3A_60 = arith.constant 0 : i32
        %dma_wait3A_61 = tpu.memref_slice %arg2[%arg0, %dma_wait3A_59, %dma_wait3A_60] : memref<2x10240x80xf32, #tpu.memory_space<hbm>> -> memref<1x10240x80xf32, #tpu.memory_space<hbm>>
        %dma_wait3A_62 = tpu.memref_squeeze %dma_wait3A_61 : memref<1x10240x80xf32, #tpu.memory_space<hbm>> -> memref<10240x80xf32, #tpu.memory_space<hbm>>
        %dma_wait3A_63 = arith.constant 0 : i32
        %dma_wait3A_64 = tpu.memref_slice %dma_wait3A_62[%add3A, %dma_wait3A_63] : memref<10240x80xf32, #tpu.memory_space<hbm>> -> memref<128x80xf32, #tpu.memory_space<hbm>>
        tpu.wait_dma2 semaphore(%run_scoped3A_26 : memref<!tpu.dma_semaphore, #tpu.memory_space<semaphore_mem>>) src(%dma_wait3A_64 : memref<128x80xf32, #tpu.memory_space<hbm>>) dst(%dma_wait3A_58 : memref<128x80xf32, #tpu.memory_space<vmem>>)
        tpu.yield
      }) : () -> ()
      %run_scoped3A_25 = arith.constant 0 : i32
      "tpu.region"() ({
        %run_scoped3A_26 = tpu.sem_alloc : memref<!tpu.dma_semaphore, #tpu.memory_space<semaphore_mem>>
        %dma_start3A = arith.constant 0 : i32
        %dma_start3A_27 = arith.constant 0 : i32
        %dma_start3A_28 = tpu.memref_slice %arg9[%run_scoped3A_25, %dma_start3A, %dma_start3A_27] : memref<1x128x80xf32, #tpu.memory_space<vmem>> -> memref<1x128x80xf32, #tpu.memory_space<vmem>>
        %dma_start3A_29 = tpu.memref_squeeze %dma_start3A_28 : memref<1x128x80xf32, #tpu.memory_space<vmem>> -> memref<128x80xf32, #tpu.memory_space<vmem>>
        %dma_start3A_30 = arith.constant 0 : i32
        %dma_start3A_31 = tpu.memref_slice %arg11[%add3A, %dma_start3A_30] : memref<10240x80xf32, #tpu.memory_space<vmem_shared>> -> memref<128x80xf32, #tpu.memory_space<vmem_shared>>
        %dma_start3A_32 = arith.constant 0 : i32
        %dma_start3A_33 = tpu.memref_slice %arg11[%add3A, %dma_start3A_32] : memref<10240x80xf32, #tpu.memory_space<vmem_shared>> -> memref<128x80xf32, #tpu.memory_space<vmem_shared>>
        %dma_start3A_34 = arith.constant 0 : i32
        %dma_start3A_35 = arith.constant 0 : i32
        %dma_start3A_36 = tpu.memref_slice %arg9[%run_scoped3A_25, %dma_start3A_34, %dma_start3A_35] : memref<1x128x80xf32, #tpu.memory_space<vmem>> -> memref<1x128x80xf32, #tpu.memory_space<vmem>>
        %dma_start3A_37 = tpu.memref_squeeze %dma_start3A_36 : memref<1x128x80xf32, #tpu.memory_space<vmem>> -> memref<128x80xf32, #tpu.memory_space<vmem>>
        tpu.enqueue_dma source(%dma_start3A_37 : memref<128x80xf32, #tpu.memory_space<vmem>>) target(%dma_start3A_33 : memref<128x80xf32, #tpu.memory_space<vmem_shared>>) target_semaphore(%run_scoped3A_26 : memref<!tpu.dma_semaphore, #tpu.memory_space<semaphore_mem>>)
        %dma_wait3A = arith.constant 0 : i32
        %dma_wait3A_38 = arith.constant 0 : i32
        %dma_wait3A_39 = tpu.memref_slice %arg9[%run_scoped3A_25, %dma_wait3A, %dma_wait3A_38] : memref<1x128x80xf32, #tpu.memory_space<vmem>> -> memref<1x128x80xf32, #tpu.memory_space<vmem>>
        %dma_wait3A_40 = tpu.memref_squeeze %dma_wait3A_39 : memref<1x128x80xf32, #tpu.memory_space<vmem>> -> memref<128x80xf32, #tpu.memory_space<vmem>>
        %dma_wait3A_41 = arith.constant 0 : i32
        %dma_wait3A_42 = tpu.memref_slice %arg11[%add3A, %dma_wait3A_41] : memref<10240x80xf32, #tpu.memory_space<vmem_shared>> -> memref<128x80xf32, #tpu.memory_space<vmem_shared>>
        %dma_wait3A_43 = arith.constant 0 : i32
        %dma_wait3A_44 = tpu.memref_slice %arg11[%add3A, %dma_wait3A_43] : memref<10240x80xf32, #tpu.memory_space<vmem_shared>> -> memref<128x80xf32, #tpu.memory_space<vmem_shared>>
        %dma_wait3A_45 = arith.constant 0 : i32
        %dma_wait3A_46 = arith.constant 0 : i32
        %dma_wait3A_47 = tpu.memref_slice %arg9[%run_scoped3A_25, %dma_wait3A_45, %dma_wait3A_46] : memref<1x128x80xf32, #tpu.memory_space<vmem>> -> memref<1x128x80xf32, #tpu.memory_space<vmem>>
        %dma_wait3A_48 = tpu.memref_squeeze %dma_wait3A_47 : memref<1x128x80xf32, #tpu.memory_space<vmem>> -> memref<128x80xf32, #tpu.memory_space<vmem>>
        tpu.wait_dma2 semaphore(%run_scoped3A_26 : memref<!tpu.dma_semaphore, #tpu.memory_space<semaphore_mem>>) src(%dma_wait3A_48 : memref<128x80xf32, #tpu.memory_space<vmem>>) dst(%dma_wait3A_44 : memref<128x80xf32, #tpu.memory_space<vmem_shared>>)
        tpu.yield
      }) : () -> ()
    }
    %scan3A_8 = arith.constant 5 : i32
    %barrier3A = arith.constant 0 : index
    tpu.barrier barrier_id(%barrier3A)
    %scan3A_9 = arith.constant 0 : i32
    %scan3A_10 = arith.constant 5 : i32
    %scan3A_11 = arith.addi %scan3A_9, %scan3A_10 : i32
    %scan3A_12 = arith.constant 1 : i32
    scf.for %scan3A_20 = %scan3A_9 to %scan3A_11 step %scan3A_12  : i32 {
      %mul3A = arith.constant 32 : i32
      %mul3A_21 = arith.muli %scan3A_20, %mul3A : i32
      "tpu.region"() ({
        %run_scoped3A_29 = tpu.sem_alloc : memref<!tpu.dma_semaphore, #tpu.memory_space<semaphore_mem>>
        %dma_start3A = arith.constant 0 : i32
        %dma_start3A_30 = arith.constant 0 : i32
        %dma_start3A_31 = tpu.memref_slice %arg3[%arg1, %dma_start3A, %dma_start3A_30] : memref<16x160x128xi32, #tpu.memory_space<hbm>> -> memref<1x160x128xi32, #tpu.memory_space<hbm>>
        %dma_start3A_32 = tpu.memref_squeeze %dma_start3A_31 : memref<1x160x128xi32, #tpu.memory_space<hbm>> -> memref<160x128xi32, #tpu.memory_space<hbm>>
        %dma_start3A_33 = arith.constant 0 : i32
        %dma_start3A_34 = tpu.memref_slice %dma_start3A_32[%mul3A_21, %dma_start3A_33] : memref<160x128xi32, #tpu.memory_space<hbm>> -> memref<32x128xi32, #tpu.memory_space<hbm>>
        %dma_start3A_35 = arith.constant 0 : i32
        %dma_start3A_36 = arith.constant 0 : i32
        %dma_start3A_37 = tpu.memref_slice %arg3[%arg1, %dma_start3A_35, %dma_start3A_36] : memref<16x160x128xi32, #tpu.memory_space<hbm>> -> memref<1x160x128xi32, #tpu.memory_space<hbm>>
        %dma_start3A_38 = tpu.memref_squeeze %dma_start3A_37 : memref<1x160x128xi32, #tpu.memory_space<hbm>> -> memref<160x128xi32, #tpu.memory_space<hbm>>
        %dma_start3A_39 = arith.constant 0 : i32
        %dma_start3A_40 = tpu.memref_slice %dma_start3A_38[%mul3A_21, %dma_start3A_39] : memref<160x128xi32, #tpu.memory_space<hbm>> -> memref<32x128xi32, #tpu.memory_space<hbm>>
        tpu.enqueue_dma source(%dma_start3A_40 : memref<32x128xi32, #tpu.memory_space<hbm>>) target(%arg7 : memref<32x128xi32, #tpu.memory_space<vmem>>) target_semaphore(%run_scoped3A_29 : memref<!tpu.dma_semaphore, #tpu.memory_space<semaphore_mem>>)
        %dma_wait3A = arith.constant 0 : i32
        %dma_wait3A_41 = arith.constant 0 : i32
        %dma_wait3A_42 = tpu.memref_slice %arg3[%arg1, %dma_wait3A, %dma_wait3A_41] : memref<16x160x128xi32, #tpu.memory_space<hbm>> -> memref<1x160x128xi32, #tpu.memory_space<hbm>>
        %dma_wait3A_43 = tpu.memref_squeeze %dma_wait3A_42 : memref<1x160x128xi32, #tpu.memory_space<hbm>> -> memref<160x128xi32, #tpu.memory_space<hbm>>
        %dma_wait3A_44 = arith.constant 0 : i32
        %dma_wait3A_45 = tpu.memref_slice %dma_wait3A_43[%mul3A_21, %dma_wait3A_44] : memref<160x128xi32, #tpu.memory_space<hbm>> -> memref<32x128xi32, #tpu.memory_space<hbm>>
        %dma_wait3A_46 = arith.constant 0 : i32
        %dma_wait3A_47 = arith.constant 0 : i32
        %dma_wait3A_48 = tpu.memref_slice %arg3[%arg1, %dma_wait3A_46, %dma_wait3A_47] : memref<16x160x128xi32, #tpu.memory_space<hbm>> -> memref<1x160x128xi32, #tpu.memory_space<hbm>>
        %dma_wait3A_49 = tpu.memref_squeeze %dma_wait3A_48 : memref<1x160x128xi32, #tpu.memory_space<hbm>> -> memref<160x128xi32, #tpu.memory_space<hbm>>
        %dma_wait3A_50 = arith.constant 0 : i32
        %dma_wait3A_51 = tpu.memref_slice %dma_wait3A_49[%mul3A_21, %dma_wait3A_50] : memref<160x128xi32, #tpu.memory_space<hbm>> -> memref<32x128xi32, #tpu.memory_space<hbm>>
        tpu.wait_dma2 semaphore(%run_scoped3A_29 : memref<!tpu.dma_semaphore, #tpu.memory_space<semaphore_mem>>) src(%dma_wait3A_51 : memref<32x128xi32, #tpu.memory_space<hbm>>) dst(%arg7 : memref<32x128xi32, #tpu.memory_space<vmem>>)
        tpu.yield
      }) : () -> ()
      %mul3A_22 = arith.constant 32 : i32
      %mul3A_23 = arith.muli %scan3A_20, %mul3A_22 : i32
      "tpu.region"() ({
        %run_scoped3A_29 = tpu.sem_alloc : memref<!tpu.dma_semaphore, #tpu.memory_space<semaphore_mem>>
        %dma_start3A = arith.constant 0 : i32
        %dma_start3A_30 = arith.constant 0 : i32
        %dma_start3A_31 = tpu.memref_slice %arg4[%arg1, %dma_start3A, %dma_start3A_30] : memref<16x160x128xi32, #tpu.memory_space<hbm>> -> memref<1x160x128xi32, #tpu.memory_space<hbm>>
        %dma_start3A_32 = tpu.memref_squeeze %dma_start3A_31 : memref<1x160x128xi32, #tpu.memory_space<hbm>> -> memref<160x128xi32, #tpu.memory_space<hbm>>
        %dma_start3A_33 = arith.constant 0 : i32
        %dma_start3A_34 = tpu.memref_slice %dma_start3A_32[%mul3A_23, %dma_start3A_33] : memref<160x128xi32, #tpu.memory_space<hbm>> -> memref<32x128xi32, #tpu.memory_space<hbm>>
        %dma_start3A_35 = arith.constant 0 : i32
        %dma_start3A_36 = arith.constant 0 : i32
        %dma_start3A_37 = tpu.memref_slice %arg4[%arg1, %dma_start3A_35, %dma_start3A_36] : memref<16x160x128xi32, #tpu.memory_space<hbm>> -> memref<1x160x128xi32, #tpu.memory_space<hbm>>
        %dma_start3A_38 = tpu.memref_squeeze %dma_start3A_37 : memref<1x160x128xi32, #tpu.memory_space<hbm>> -> memref<160x128xi32, #tpu.memory_space<hbm>>
        %dma_start3A_39 = arith.constant 0 : i32
        %dma_start3A_40 = tpu.memref_slice %dma_start3A_38[%mul3A_23, %dma_start3A_39] : memref<160x128xi32, #tpu.memory_space<hbm>> -> memref<32x128xi32, #tpu.memory_space<hbm>>
        tpu.enqueue_dma source(%dma_start3A_40 : memref<32x128xi32, #tpu.memory_space<hbm>>) target(%arg8 : memref<32x128xi32, #tpu.memory_space<vmem>>) target_semaphore(%run_scoped3A_29 : memref<!tpu.dma_semaphore, #tpu.memory_space<semaphore_mem>>)
        %dma_wait3A = arith.constant 0 : i32
        %dma_wait3A_41 = arith.constant 0 : i32
        %dma_wait3A_42 = tpu.memref_slice %arg4[%arg1, %dma_wait3A, %dma_wait3A_41] : memref<16x160x128xi32, #tpu.memory_space<hbm>> -> memref<1x160x128xi32, #tpu.memory_space<hbm>>
        %dma_wait3A_43 = tpu.memref_squeeze %dma_wait3A_42 : memref<1x160x128xi32, #tpu.memory_space<hbm>> -> memref<160x128xi32, #tpu.memory_space<hbm>>
        %dma_wait3A_44 = arith.constant 0 : i32
        %dma_wait3A_45 = tpu.memref_slice %dma_wait3A_43[%mul3A_23, %dma_wait3A_44] : memref<160x128xi32, #tpu.memory_space<hbm>> -> memref<32x128xi32, #tpu.memory_space<hbm>>
        %dma_wait3A_46 = arith.constant 0 : i32
        %dma_wait3A_47 = arith.constant 0 : i32
        %dma_wait3A_48 = tpu.memref_slice %arg4[%arg1, %dma_wait3A_46, %dma_wait3A_47] : memref<16x160x128xi32, #tpu.memory_space<hbm>> -> memref<1x160x128xi32, #tpu.memory_space<hbm>>
        %dma_wait3A_49 = tpu.memref_squeeze %dma_wait3A_48 : memref<1x160x128xi32, #tpu.memory_space<hbm>> -> memref<160x128xi32, #tpu.memory_space<hbm>>
        %dma_wait3A_50 = arith.constant 0 : i32
        %dma_wait3A_51 = tpu.memref_slice %dma_wait3A_49[%mul3A_23, %dma_wait3A_50] : memref<160x128xi32, #tpu.memory_space<hbm>> -> memref<32x128xi32, #tpu.memory_space<hbm>>
        tpu.wait_dma2 semaphore(%run_scoped3A_29 : memref<!tpu.dma_semaphore, #tpu.memory_space<semaphore_mem>>) src(%dma_wait3A_51 : memref<32x128xi32, #tpu.memory_space<hbm>>) dst(%arg8 : memref<32x128xi32, #tpu.memory_space<vmem>>)
        tpu.yield
      }) : () -> ()
      %scan3A_24 = arith.constant 0 : i32
      %scan3A_25 = arith.constant 32 : i32
      %scan3A_26 = arith.addi %scan3A_24, %scan3A_25 : i32
      %scan3A_27 = arith.constant 1 : i32
      scf.for %scan3A_29 = %scan3A_24 to %scan3A_26 step %scan3A_27  : i32 {
        %dma_start3A = arith.constant 0 : i32
        %dma_start3A_30 = arith.constant 0 : i32
        %dma_start3A_31 = arith.constant 0 : i32
        %dma_start3A_32 = tpu.memref_slice %arg9[%dma_start3A, %dma_start3A_30, %dma_start3A_31] : memref<1x128x80xf32, #tpu.memory_space<vmem>> -> memref<1x128x80xf32, #tpu.memory_space<vmem>>
        %dma_start3A_33 = tpu.memref_squeeze %dma_start3A_32 : memref<1x128x80xf32, #tpu.memory_space<vmem>> -> memref<128x80xf32, #tpu.memory_space<vmem>>
        %dma_start3A_34 = arith.constant 0 : i32
        %dma_start3A_35 = tpu.memref_slice %arg7[%scan3A_29, %dma_start3A_34] : memref<32x128xi32, #tpu.memory_space<vmem>> -> memref<1x128xi32, #tpu.memory_space<vmem>>
        %dma_start3A_36 = tpu.memref_squeeze %dma_start3A_35 : memref<1x128xi32, #tpu.memory_space<vmem>> -> memref<128xi32, #tpu.memory_space<vmem>>
        %dma_start3A_37 = arith.constant 0 : i32
        %dma_start3A_38 = arith.constant 0 : i32
        %dma_start3A_39 = tpu.memref_slice %arg11[%dma_start3A_37, %dma_start3A_38] : memref<10240x80xf32, #tpu.memory_space<vmem_shared>> -> memref<10240x80xf32, #tpu.memory_space<vmem_shared>>
        tpu.enqueue_indirect_dma source(%dma_start3A_39 : memref<10240x80xf32, #tpu.memory_space<vmem_shared>>) target(%dma_start3A_33 : memref<128x80xf32, #tpu.memory_space<vmem>>) offsets(%dma_start3A_36 : memref<128xi32, #tpu.memory_space<vmem>>) semaphore(%arg12 : memref<!tpu.dma_semaphore, #tpu.memory_space<semaphore_mem>>)
        %dma_wait3A = arith.constant 0 : i32
        %dma_wait3A_40 = arith.constant 0 : i32
        %dma_wait3A_41 = arith.constant 0 : i32
        %dma_wait3A_42 = tpu.memref_slice %arg9[%dma_wait3A, %dma_wait3A_40, %dma_wait3A_41] : memref<1x128x80xf32, #tpu.memory_space<vmem>> -> memref<1x128x80xf32, #tpu.memory_space<vmem>>
        %dma_wait3A_43 = tpu.memref_squeeze %dma_wait3A_42 : memref<1x128x80xf32, #tpu.memory_space<vmem>> -> memref<128x80xf32, #tpu.memory_space<vmem>>
        %dma_wait3A_44 = arith.constant 0 : i32
        %dma_wait3A_45 = tpu.memref_slice %arg7[%scan3A_29, %dma_wait3A_44] : memref<32x128xi32, #tpu.memory_space<vmem>> -> memref<1x128xi32, #tpu.memory_space<vmem>>
        %dma_wait3A_46 = tpu.memref_squeeze %dma_wait3A_45 : memref<1x128xi32, #tpu.memory_space<vmem>> -> memref<128xi32, #tpu.memory_space<vmem>>
        %dma_wait3A_47 = arith.constant 0 : i32
        %dma_wait3A_48 = arith.constant 0 : i32
        %dma_wait3A_49 = tpu.memref_slice %arg11[%dma_wait3A_47, %dma_wait3A_48] : memref<10240x80xf32, #tpu.memory_space<vmem_shared>> -> memref<10240x80xf32, #tpu.memory_space<vmem_shared>>
        tpu.wait_indirect_dma semaphore(%arg12 : memref<!tpu.dma_semaphore, #tpu.memory_space<semaphore_mem>>) src(%dma_wait3A_49 : memref<10240x80xf32, #tpu.memory_space<vmem_shared>>) dst(%dma_wait3A_43 : memref<128x80xf32, #tpu.memory_space<vmem>>)
        %run_scoped3A_50 = arith.constant 0 : i32
        "tpu.region"() ({
          %run_scoped3A_51 = tpu.sem_alloc : memref<!tpu.dma_semaphore, #tpu.memory_space<semaphore_mem>>
          %dma_start3A_52 = arith.constant 0 : i32
          %dma_start3A_53 = arith.constant 0 : i32
          %dma_start3A_54 = tpu.memref_slice %arg9[%run_scoped3A_50, %dma_start3A_52, %dma_start3A_53] : memref<1x128x80xf32, #tpu.memory_space<vmem>> -> memref<1x128x80xf32, #tpu.memory_space<vmem>>
          %dma_start3A_55 = tpu.memref_squeeze %dma_start3A_54 : memref<1x128x80xf32, #tpu.memory_space<vmem>> -> memref<128x80xf32, #tpu.memory_space<vmem>>
          %dma_start3A_56 = arith.constant 0 : i32
          %dma_start3A_57 = tpu.memref_slice %arg8[%scan3A_29, %dma_start3A_56] : memref<32x128xi32, #tpu.memory_space<vmem>> -> memref<1x128xi32, #tpu.memory_space<vmem>>
          %dma_start3A_58 = tpu.memref_squeeze %dma_start3A_57 : memref<1x128xi32, #tpu.memory_space<vmem>> -> memref<128xi32, #tpu.memory_space<vmem>>
          %dma_start3A_59 = arith.constant 0 : i32
          %dma_start3A_60 = arith.constant 0 : i32
          %dma_start3A_61 = tpu.memref_slice %arg10[%dma_start3A_59, %dma_start3A_60] : memref<10240x80xf32, #tpu.memory_space<vmem_shared>> -> memref<10240x80xf32, #tpu.memory_space<vmem_shared>>
          tpu.enqueue_indirect_dma source(%dma_start3A_55 : memref<128x80xf32, #tpu.memory_space<vmem>>) target(%dma_start3A_61 : memref<10240x80xf32, #tpu.memory_space<vmem_shared>>) offsets(%dma_start3A_58 : memref<128xi32, #tpu.memory_space<vmem>>) semaphore(%run_scoped3A_51 : memref<!tpu.dma_semaphore, #tpu.memory_space<semaphore_mem>>) {add = true}
          %dma_wait3A_62 = arith.constant 0 : i32
          %dma_wait3A_63 = arith.constant 0 : i32
          %dma_wait3A_64 = tpu.memref_slice %arg9[%run_scoped3A_50, %dma_wait3A_62, %dma_wait3A_63] : memref<1x128x80xf32, #tpu.memory_space<vmem>> -> memref<1x128x80xf32, #tpu.memory_space<vmem>>
          %dma_wait3A_65 = tpu.memref_squeeze %dma_wait3A_64 : memref<1x128x80xf32, #tpu.memory_space<vmem>> -> memref<128x80xf32, #tpu.memory_space<vmem>>
          %dma_wait3A_66 = arith.constant 0 : i32
          %dma_wait3A_67 = tpu.memref_slice %arg8[%scan3A_29, %dma_wait3A_66] : memref<32x128xi32, #tpu.memory_space<vmem>> -> memref<1x128xi32, #tpu.memory_space<vmem>>
          %dma_wait3A_68 = tpu.memref_squeeze %dma_wait3A_67 : memref<1x128xi32, #tpu.memory_space<vmem>> -> memref<128xi32, #tpu.memory_space<vmem>>
          %dma_wait3A_69 = arith.constant 0 : i32
          %dma_wait3A_70 = arith.constant 0 : i32
          %dma_wait3A_71 = tpu.memref_slice %arg10[%dma_wait3A_69, %dma_wait3A_70] : memref<10240x80xf32, #tpu.memory_space<vmem_shared>> -> memref<10240x80xf32, #tpu.memory_space<vmem_shared>>
          tpu.wait_indirect_dma semaphore(%run_scoped3A_51 : memref<!tpu.dma_semaphore, #tpu.memory_space<semaphore_mem>>) src(%dma_wait3A_65 : memref<128x80xf32, #tpu.memory_space<vmem>>) dst(%dma_wait3A_71 : memref<10240x80xf32, #tpu.memory_space<vmem_shared>>)
          tpu.yield
        }) : () -> ()
      }
      %scan3A_28 = arith.constant 32 : i32
    }
    %scan3A_13 = arith.constant 5 : i32
    %barrier3A_14 = arith.constant 0 : index
    tpu.barrier barrier_id(%barrier3A_14)
    %scan3A_15 = arith.constant 0 : i32
    %scan3A_16 = arith.constant 5 : i32
    %scan3A_17 = arith.addi %scan3A_15, %scan3A_16 : i32
    %scan3A_18 = arith.constant 1 : i32
    scf.for %scan3A_20 = %scan3A_15 to %scan3A_17 step %scan3A_18  : i32 {
      %mul3A = arith.constant 640 : i32
      %mul3A_21 = arith.muli %arg1, %mul3A : i32
      %mul3A_22 = arith.constant 128 : i32
      %mul3A_23 = arith.muli %scan3A_20, %mul3A_22 : i32
      %add3A = arith.addi %mul3A_21, %mul3A_23 : i32
      %run_scoped3A_24 = arith.constant 0 : i32
      "tpu.region"() ({
        %run_scoped3A_26 = tpu.sem_alloc : memref<!tpu.dma_semaphore, #tpu.memory_space<semaphore_mem>>
        %dma_start3A = arith.constant 0 : i32
        %dma_start3A_27 = arith.constant 0 : i32
        %dma_start3A_28 = tpu.memref_slice %arg9[%run_scoped3A_24, %dma_start3A, %dma_start3A_27] : memref<1x128x80xf32, #tpu.memory_space<vmem>> -> memref<1x128x80xf32, #tpu.memory_space<vmem>>
        %dma_start3A_29 = tpu.memref_squeeze %dma_start3A_28 : memref<1x128x80xf32, #tpu.memory_space<vmem>> -> memref<128x80xf32, #tpu.memory_space<vmem>>
        %dma_start3A_30 = arith.constant 0 : i32
        %dma_start3A_31 = tpu.memref_slice %arg10[%add3A, %dma_start3A_30] : memref<10240x80xf32, #tpu.memory_space<vmem_shared>> -> memref<128x80xf32, #tpu.memory_space<vmem_shared>>
        %dma_start3A_32 = arith.constant 0 : i32
        %dma_start3A_33 = arith.constant 0 : i32
        %dma_start3A_34 = tpu.memref_slice %arg9[%run_scoped3A_24, %dma_start3A_32, %dma_start3A_33] : memref<1x128x80xf32, #tpu.memory_space<vmem>> -> memref<1x128x80xf32, #tpu.memory_space<vmem>>
        %dma_start3A_35 = tpu.memref_squeeze %dma_start3A_34 : memref<1x128x80xf32, #tpu.memory_space<vmem>> -> memref<128x80xf32, #tpu.memory_space<vmem>>
        %dma_start3A_36 = arith.constant 0 : i32
        %dma_start3A_37 = tpu.memref_slice %arg10[%add3A, %dma_start3A_36] : memref<10240x80xf32, #tpu.memory_space<vmem_shared>> -> memref<128x80xf32, #tpu.memory_space<vmem_shared>>
        tpu.enqueue_dma source(%dma_start3A_37 : memref<128x80xf32, #tpu.memory_space<vmem_shared>>) target(%dma_start3A_35 : memref<128x80xf32, #tpu.memory_space<vmem>>) target_semaphore(%run_scoped3A_26 : memref<!tpu.dma_semaphore, #tpu.memory_space<semaphore_mem>>)
        %dma_wait3A = arith.constant 0 : i32
        %dma_wait3A_38 = arith.constant 0 : i32
        %dma_wait3A_39 = tpu.memref_slice %arg9[%run_scoped3A_24, %dma_wait3A, %dma_wait3A_38] : memref<1x128x80xf32, #tpu.memory_space<vmem>> -> memref<1x128x80xf32, #tpu.memory_space<vmem>>
        %dma_wait3A_40 = tpu.memref_squeeze %dma_wait3A_39 : memref<1x128x80xf32, #tpu.memory_space<vmem>> -> memref<128x80xf32, #tpu.memory_space<vmem>>
        %dma_wait3A_41 = arith.constant 0 : i32
        %dma_wait3A_42 = tpu.memref_slice %arg10[%add3A, %dma_wait3A_41] : memref<10240x80xf32, #tpu.memory_space<vmem_shared>> -> memref<128x80xf32, #tpu.memory_space<vmem_shared>>
        %dma_wait3A_43 = arith.constant 0 : i32
        %dma_wait3A_44 = arith.constant 0 : i32
        %dma_wait3A_45 = tpu.memref_slice %arg9[%run_scoped3A_24, %dma_wait3A_43, %dma_wait3A_44] : memref<1x128x80xf32, #tpu.memory_space<vmem>> -> memref<1x128x80xf32, #tpu.memory_space<vmem>>
        %dma_wait3A_46 = tpu.memref_squeeze %dma_wait3A_45 : memref<1x128x80xf32, #tpu.memory_space<vmem>> -> memref<128x80xf32, #tpu.memory_space<vmem>>
        %dma_wait3A_47 = arith.constant 0 : i32
        %dma_wait3A_48 = tpu.memref_slice %arg10[%add3A, %dma_wait3A_47] : memref<10240x80xf32, #tpu.memory_space<vmem_shared>> -> memref<128x80xf32, #tpu.memory_space<vmem_shared>>
        tpu.wait_dma2 semaphore(%run_scoped3A_26 : memref<!tpu.dma_semaphore, #tpu.memory_space<semaphore_mem>>) src(%dma_wait3A_48 : memref<128x80xf32, #tpu.memory_space<vmem_shared>>) dst(%dma_wait3A_46 : memref<128x80xf32, #tpu.memory_space<vmem>>)
        tpu.yield
      }) : () -> ()
      %run_scoped3A_25 = arith.constant 0 : i32
      "tpu.region"() ({
        %run_scoped3A_26 = tpu.sem_alloc : memref<!tpu.dma_semaphore, #tpu.memory_space<semaphore_mem>>
        %dma_start3A = arith.constant 0 : i32
        %dma_start3A_27 = arith.constant 0 : i32
        %dma_start3A_28 = tpu.memref_slice %arg9[%run_scoped3A_25, %dma_start3A, %dma_start3A_27] : memref<1x128x80xf32, #tpu.memory_space<vmem>> -> memref<1x128x80xf32, #tpu.memory_space<vmem>>
        %dma_start3A_29 = tpu.memref_squeeze %dma_start3A_28 : memref<1x128x80xf32, #tpu.memory_space<vmem>> -> memref<128x80xf32, #tpu.memory_space<vmem>>
        %dma_start3A_30 = arith.constant 0 : i32
        %dma_start3A_31 = arith.constant 0 : i32
        %dma_start3A_32 = tpu.memref_slice %arg6[%arg0, %dma_start3A_30, %dma_start3A_31] : memref<2x10240x80xf32, #tpu.memory_space<hbm>> -> memref<1x10240x80xf32, #tpu.memory_space<hbm>>
        %dma_start3A_33 = tpu.memref_squeeze %dma_start3A_32 : memref<1x10240x80xf32, #tpu.memory_space<hbm>> -> memref<10240x80xf32, #tpu.memory_space<hbm>>
        %dma_start3A_34 = arith.constant 0 : i32
        %dma_start3A_35 = tpu.memref_slice %dma_start3A_33[%add3A, %dma_start3A_34] : memref<10240x80xf32, #tpu.memory_space<hbm>> -> memref<128x80xf32, #tpu.memory_space<hbm>>
        %dma_start3A_36 = arith.constant 0 : i32
        %dma_start3A_37 = arith.constant 0 : i32
        %dma_start3A_38 = tpu.memref_slice %arg6[%arg0, %dma_start3A_36, %dma_start3A_37] : memref<2x10240x80xf32, #tpu.memory_space<hbm>> -> memref<1x10240x80xf32, #tpu.memory_space<hbm>>
        %dma_start3A_39 = tpu.memref_squeeze %dma_start3A_38 : memref<1x10240x80xf32, #tpu.memory_space<hbm>> -> memref<10240x80xf32, #tpu.memory_space<hbm>>
        %dma_start3A_40 = arith.constant 0 : i32
        %dma_start3A_41 = tpu.memref_slice %dma_start3A_39[%add3A, %dma_start3A_40] : memref<10240x80xf32, #tpu.memory_space<hbm>> -> memref<128x80xf32, #tpu.memory_space<hbm>>
        %dma_start3A_42 = arith.constant 0 : i32
        %dma_start3A_43 = arith.constant 0 : i32
        %dma_start3A_44 = tpu.memref_slice %arg9[%run_scoped3A_25, %dma_start3A_42, %dma_start3A_43] : memref<1x128x80xf32, #tpu.memory_space<vmem>> -> memref<1x128x80xf32, #tpu.memory_space<vmem>>
        %dma_start3A_45 = tpu.memref_squeeze %dma_start3A_44 : memref<1x128x80xf32, #tpu.memory_space<vmem>> -> memref<128x80xf32, #tpu.memory_space<vmem>>
        tpu.enqueue_dma source(%dma_start3A_45 : memref<128x80xf32, #tpu.memory_space<vmem>>) target(%dma_start3A_41 : memref<128x80xf32, #tpu.memory_space<hbm>>) target_semaphore(%run_scoped3A_26 : memref<!tpu.dma_semaphore, #tpu.memory_space<semaphore_mem>>)
        %dma_wait3A = arith.constant 0 : i32
        %dma_wait3A_46 = arith.constant 0 : i32
        %dma_wait3A_47 = tpu.memref_slice %arg9[%run_scoped3A_25, %dma_wait3A, %dma_wait3A_46] : memref<1x128x80xf32, #tpu.memory_space<vmem>> -> memref<1x128x80xf32, #tpu.memory_space<vmem>>
        %dma_wait3A_48 = tpu.memref_squeeze %dma_wait3A_47 : memref<1x128x80xf32, #tpu.memory_space<vmem>> -> memref<128x80xf32, #tpu.memory_space<vmem>>
        %dma_wait3A_49 = arith.constant 0 : i32
        %dma_wait3A_50 = arith.constant 0 : i32
        %dma_wait3A_51 = tpu.memref_slice %arg6[%arg0, %dma_wait3A_49, %dma_wait3A_50] : memref<2x10240x80xf32, #tpu.memory_space<hbm>> -> memref<1x10240x80xf32, #tpu.memory_space<hbm>>
        %dma_wait3A_52 = tpu.memref_squeeze %dma_wait3A_51 : memref<1x10240x80xf32, #tpu.memory_space<hbm>> -> memref<10240x80xf32, #tpu.memory_space<hbm>>
        %dma_wait3A_53 = arith.constant 0 : i32
        %dma_wait3A_54 = tpu.memref_slice %dma_wait3A_52[%add3A, %dma_wait3A_53] : memref<10240x80xf32, #tpu.memory_space<hbm>> -> memref<128x80xf32, #tpu.memory_space<hbm>>
        %dma_wait3A_55 = arith.constant 0 : i32
        %dma_wait3A_56 = arith.constant 0 : i32
        %dma_wait3A_57 = tpu.memref_slice %arg6[%arg0, %dma_wait3A_55, %dma_wait3A_56] : memref<2x10240x80xf32, #tpu.memory_space<hbm>> -> memref<1x10240x80xf32, #tpu.memory_space<hbm>>
        %dma_wait3A_58 = tpu.memref_squeeze %dma_wait3A_57 : memref<1x10240x80xf32, #tpu.memory_space<hbm>> -> memref<10240x80xf32, #tpu.memory_space<hbm>>
        %dma_wait3A_59 = arith.constant 0 : i32
        %dma_wait3A_60 = tpu.memref_slice %dma_wait3A_58[%add3A, %dma_wait3A_59] : memref<10240x80xf32, #tpu.memory_space<hbm>> -> memref<128x80xf32, #tpu.memory_space<hbm>>
        %dma_wait3A_61 = arith.constant 0 : i32
        %dma_wait3A_62 = arith.constant 0 : i32
        %dma_wait3A_63 = tpu.memref_slice %arg9[%run_scoped3A_25, %dma_wait3A_61, %dma_wait3A_62] : memref<1x128x80xf32, #tpu.memory_space<vmem>> -> memref<1x128x80xf32, #tpu.memory_space<vmem>>
        %dma_wait3A_64 = tpu.memref_squeeze %dma_wait3A_63 : memref<1x128x80xf32, #tpu.memory_space<vmem>> -> memref<128x80xf32, #tpu.memory_space<vmem>>
        tpu.wait_dma2 semaphore(%run_scoped3A_26 : memref<!tpu.dma_semaphore, #tpu.memory_space<semaphore_mem>>) src(%dma_wait3A_64 : memref<128x80xf32, #tpu.memory_space<vmem>>) dst(%dma_wait3A_60 : memref<128x80xf32, #tpu.memory_space<hbm>>)
        tpu.yield
      }) : () -> ()
    }
    %scan3A_19 = arith.constant 5 : i32
    return
  }
}

#map = affine_map<(d0, d1) -> (0, 0)>
#map1 = affine_map<(d0, d1) -> (0, 0, 0)>
module attributes {stable_mosaic.version = 14 : i64} {
  func.func @_sc_agg_body(%arg0: i32, %arg1: i32, %arg2: memref<10240x64xf32, #tpu.memory_space<hbm>>, %arg3: memref<32x80x128xi32, #tpu.memory_space<hbm>>, %arg4: memref<32x80x128xi32, #tpu.memory_space<hbm>>, %arg5: memref<128x64xf32, #tpu.memory_space<hbm>>, %arg6: memref<2x10240x64xf32, #tpu.memory_space<hbm>>, %arg7: memref<80x128xi32, #tpu.memory_space<vmem>>, %arg8: memref<80x128xi32, #tpu.memory_space<vmem>>, %arg9: memref<1x128x64xf32, #tpu.memory_space<vmem>>, %arg10: memref<10240x64xf32, #tpu.memory_space<vmem_shared>>, %arg11: memref<10240x64xf32, #tpu.memory_space<vmem_shared>>, %arg12: memref<!tpu.dma_semaphore, #tpu.memory_space<semaphore_mem>>) attributes {dimension_semantics = [#tpu.dimension_semantics<core_parallel>, #tpu.dimension_semantics<subcore_parallel>], iteration_bounds = array<i64: 2, 16>, scalar_prefetch = 0 : i64, scratch_operands = 6 : i64, tpu.core_type = #tpu.core_type<sc_vector_subcore>, window_params = [{transform_indices = #map}, {transform_indices = #map1}, {transform_indices = #map1}, {transform_indices = #map}, {transform_indices = #map1}]} {
    %run_scoped3A = arith.constant 0 : i32
    "tpu.region"() ({
      %run_scoped3A_27 = tpu.sem_alloc : memref<!tpu.dma_semaphore, #tpu.memory_space<semaphore_mem>>
      %dma_start3A = arith.constant 0 : i32
      %dma_start3A_28 = arith.constant 0 : i32
      %dma_start3A_29 = tpu.memref_slice %arg9[%run_scoped3A, %dma_start3A, %dma_start3A_28] : memref<1x128x64xf32, #tpu.memory_space<vmem>> -> memref<1x128x64xf32, #tpu.memory_space<vmem>>
      %dma_start3A_30 = tpu.memref_squeeze %dma_start3A_29 : memref<1x128x64xf32, #tpu.memory_space<vmem>> -> memref<128x64xf32, #tpu.memory_space<vmem>>
      %dma_start3A_31 = arith.constant 0 : i32
      %dma_start3A_32 = arith.constant 0 : i32
      %dma_start3A_33 = tpu.memref_slice %arg9[%run_scoped3A, %dma_start3A_31, %dma_start3A_32] : memref<1x128x64xf32, #tpu.memory_space<vmem>> -> memref<1x128x64xf32, #tpu.memory_space<vmem>>
      %dma_start3A_34 = tpu.memref_squeeze %dma_start3A_33 : memref<1x128x64xf32, #tpu.memory_space<vmem>> -> memref<128x64xf32, #tpu.memory_space<vmem>>
      tpu.enqueue_dma source(%arg5 : memref<128x64xf32, #tpu.memory_space<hbm>>) target(%dma_start3A_34 : memref<128x64xf32, #tpu.memory_space<vmem>>) target_semaphore(%run_scoped3A_27 : memref<!tpu.dma_semaphore, #tpu.memory_space<semaphore_mem>>)
      %dma_wait3A = arith.constant 0 : i32
      %dma_wait3A_35 = arith.constant 0 : i32
      %dma_wait3A_36 = tpu.memref_slice %arg9[%run_scoped3A, %dma_wait3A, %dma_wait3A_35] : memref<1x128x64xf32, #tpu.memory_space<vmem>> -> memref<1x128x64xf32, #tpu.memory_space<vmem>>
      %dma_wait3A_37 = tpu.memref_squeeze %dma_wait3A_36 : memref<1x128x64xf32, #tpu.memory_space<vmem>> -> memref<128x64xf32, #tpu.memory_space<vmem>>
      %dma_wait3A_38 = arith.constant 0 : i32
      %dma_wait3A_39 = arith.constant 0 : i32
      %dma_wait3A_40 = tpu.memref_slice %arg9[%run_scoped3A, %dma_wait3A_38, %dma_wait3A_39] : memref<1x128x64xf32, #tpu.memory_space<vmem>> -> memref<1x128x64xf32, #tpu.memory_space<vmem>>
      %dma_wait3A_41 = tpu.memref_squeeze %dma_wait3A_40 : memref<1x128x64xf32, #tpu.memory_space<vmem>> -> memref<128x64xf32, #tpu.memory_space<vmem>>
      tpu.wait_dma2 semaphore(%run_scoped3A_27 : memref<!tpu.dma_semaphore, #tpu.memory_space<semaphore_mem>>) src(%arg5 : memref<128x64xf32, #tpu.memory_space<hbm>>) dst(%dma_wait3A_41 : memref<128x64xf32, #tpu.memory_space<vmem>>)
      tpu.yield
    }) : () -> ()
    %scan3A = arith.constant 0 : i32
    %scan3A_0 = arith.constant 5 : i32
    %scan3A_1 = arith.addi %scan3A, %scan3A_0 : i32
    %scan3A_2 = arith.constant 1 : i32
    scf.for %scan3A_27 = %scan3A to %scan3A_1 step %scan3A_2  : i32 {
      %mul3A_28 = arith.constant 640 : i32
      %mul3A_29 = arith.muli %arg1, %mul3A_28 : i32
      %mul3A_30 = arith.constant 128 : i32
      %mul3A_31 = arith.muli %scan3A_27, %mul3A_30 : i32
      %add3A_32 = arith.addi %mul3A_29, %mul3A_31 : i32
      %run_scoped3A_33 = arith.constant 0 : i32
      "tpu.region"() ({
        %run_scoped3A_34 = tpu.sem_alloc : memref<!tpu.dma_semaphore, #tpu.memory_space<semaphore_mem>>
        %dma_start3A = arith.constant 0 : i32
        %dma_start3A_35 = arith.constant 0 : i32
        %dma_start3A_36 = tpu.memref_slice %arg9[%run_scoped3A_33, %dma_start3A, %dma_start3A_35] : memref<1x128x64xf32, #tpu.memory_space<vmem>> -> memref<1x128x64xf32, #tpu.memory_space<vmem>>
        %dma_start3A_37 = tpu.memref_squeeze %dma_start3A_36 : memref<1x128x64xf32, #tpu.memory_space<vmem>> -> memref<128x64xf32, #tpu.memory_space<vmem>>
        %dma_start3A_38 = arith.constant 0 : i32
        %dma_start3A_39 = tpu.memref_slice %arg10[%add3A_32, %dma_start3A_38] : memref<10240x64xf32, #tpu.memory_space<vmem_shared>> -> memref<128x64xf32, #tpu.memory_space<vmem_shared>>
        %dma_start3A_40 = arith.constant 0 : i32
        %dma_start3A_41 = tpu.memref_slice %arg10[%add3A_32, %dma_start3A_40] : memref<10240x64xf32, #tpu.memory_space<vmem_shared>> -> memref<128x64xf32, #tpu.memory_space<vmem_shared>>
        %dma_start3A_42 = arith.constant 0 : i32
        %dma_start3A_43 = arith.constant 0 : i32
        %dma_start3A_44 = tpu.memref_slice %arg9[%run_scoped3A_33, %dma_start3A_42, %dma_start3A_43] : memref<1x128x64xf32, #tpu.memory_space<vmem>> -> memref<1x128x64xf32, #tpu.memory_space<vmem>>
        %dma_start3A_45 = tpu.memref_squeeze %dma_start3A_44 : memref<1x128x64xf32, #tpu.memory_space<vmem>> -> memref<128x64xf32, #tpu.memory_space<vmem>>
        tpu.enqueue_dma source(%dma_start3A_45 : memref<128x64xf32, #tpu.memory_space<vmem>>) target(%dma_start3A_41 : memref<128x64xf32, #tpu.memory_space<vmem_shared>>) target_semaphore(%run_scoped3A_34 : memref<!tpu.dma_semaphore, #tpu.memory_space<semaphore_mem>>)
        %dma_wait3A = arith.constant 0 : i32
        %dma_wait3A_46 = arith.constant 0 : i32
        %dma_wait3A_47 = tpu.memref_slice %arg9[%run_scoped3A_33, %dma_wait3A, %dma_wait3A_46] : memref<1x128x64xf32, #tpu.memory_space<vmem>> -> memref<1x128x64xf32, #tpu.memory_space<vmem>>
        %dma_wait3A_48 = tpu.memref_squeeze %dma_wait3A_47 : memref<1x128x64xf32, #tpu.memory_space<vmem>> -> memref<128x64xf32, #tpu.memory_space<vmem>>
        %dma_wait3A_49 = arith.constant 0 : i32
        %dma_wait3A_50 = tpu.memref_slice %arg10[%add3A_32, %dma_wait3A_49] : memref<10240x64xf32, #tpu.memory_space<vmem_shared>> -> memref<128x64xf32, #tpu.memory_space<vmem_shared>>
        %dma_wait3A_51 = arith.constant 0 : i32
        %dma_wait3A_52 = tpu.memref_slice %arg10[%add3A_32, %dma_wait3A_51] : memref<10240x64xf32, #tpu.memory_space<vmem_shared>> -> memref<128x64xf32, #tpu.memory_space<vmem_shared>>
        %dma_wait3A_53 = arith.constant 0 : i32
        %dma_wait3A_54 = arith.constant 0 : i32
        %dma_wait3A_55 = tpu.memref_slice %arg9[%run_scoped3A_33, %dma_wait3A_53, %dma_wait3A_54] : memref<1x128x64xf32, #tpu.memory_space<vmem>> -> memref<1x128x64xf32, #tpu.memory_space<vmem>>
        %dma_wait3A_56 = tpu.memref_squeeze %dma_wait3A_55 : memref<1x128x64xf32, #tpu.memory_space<vmem>> -> memref<128x64xf32, #tpu.memory_space<vmem>>
        tpu.wait_dma2 semaphore(%run_scoped3A_34 : memref<!tpu.dma_semaphore, #tpu.memory_space<semaphore_mem>>) src(%dma_wait3A_56 : memref<128x64xf32, #tpu.memory_space<vmem>>) dst(%dma_wait3A_52 : memref<128x64xf32, #tpu.memory_space<vmem_shared>>)
        tpu.yield
      }) : () -> ()
    }
    %scan3A_3 = arith.constant 5 : i32
    %scan3A_4 = arith.constant 0 : i32
    %scan3A_5 = arith.constant 5 : i32
    %scan3A_6 = arith.addi %scan3A_4, %scan3A_5 : i32
    %scan3A_7 = arith.constant 1 : i32
    scf.for %scan3A_27 = %scan3A_4 to %scan3A_6 step %scan3A_7  : i32 {
      %mul3A_28 = arith.constant 640 : i32
      %mul3A_29 = arith.muli %arg1, %mul3A_28 : i32
      %mul3A_30 = arith.constant 128 : i32
      %mul3A_31 = arith.muli %scan3A_27, %mul3A_30 : i32
      %add3A_32 = arith.addi %mul3A_29, %mul3A_31 : i32
      %run_scoped3A_33 = arith.constant 0 : i32
      "tpu.region"() ({
        %run_scoped3A_35 = tpu.sem_alloc : memref<!tpu.dma_semaphore, #tpu.memory_space<semaphore_mem>>
        %dma_start3A = arith.constant 0 : i32
        %dma_start3A_36 = arith.constant 0 : i32
        %dma_start3A_37 = tpu.memref_slice %arg9[%run_scoped3A_33, %dma_start3A, %dma_start3A_36] : memref<1x128x64xf32, #tpu.memory_space<vmem>> -> memref<1x128x64xf32, #tpu.memory_space<vmem>>
        %dma_start3A_38 = tpu.memref_squeeze %dma_start3A_37 : memref<1x128x64xf32, #tpu.memory_space<vmem>> -> memref<128x64xf32, #tpu.memory_space<vmem>>
        %dma_start3A_39 = arith.constant 0 : i32
        %dma_start3A_40 = tpu.memref_slice %arg2[%add3A_32, %dma_start3A_39] : memref<10240x64xf32, #tpu.memory_space<hbm>> -> memref<128x64xf32, #tpu.memory_space<hbm>>
        %dma_start3A_41 = arith.constant 0 : i32
        %dma_start3A_42 = arith.constant 0 : i32
        %dma_start3A_43 = tpu.memref_slice %arg9[%run_scoped3A_33, %dma_start3A_41, %dma_start3A_42] : memref<1x128x64xf32, #tpu.memory_space<vmem>> -> memref<1x128x64xf32, #tpu.memory_space<vmem>>
        %dma_start3A_44 = tpu.memref_squeeze %dma_start3A_43 : memref<1x128x64xf32, #tpu.memory_space<vmem>> -> memref<128x64xf32, #tpu.memory_space<vmem>>
        %dma_start3A_45 = arith.constant 0 : i32
        %dma_start3A_46 = tpu.memref_slice %arg2[%add3A_32, %dma_start3A_45] : memref<10240x64xf32, #tpu.memory_space<hbm>> -> memref<128x64xf32, #tpu.memory_space<hbm>>
        tpu.enqueue_dma source(%dma_start3A_46 : memref<128x64xf32, #tpu.memory_space<hbm>>) target(%dma_start3A_44 : memref<128x64xf32, #tpu.memory_space<vmem>>) target_semaphore(%run_scoped3A_35 : memref<!tpu.dma_semaphore, #tpu.memory_space<semaphore_mem>>)
        %dma_wait3A = arith.constant 0 : i32
        %dma_wait3A_47 = arith.constant 0 : i32
        %dma_wait3A_48 = tpu.memref_slice %arg9[%run_scoped3A_33, %dma_wait3A, %dma_wait3A_47] : memref<1x128x64xf32, #tpu.memory_space<vmem>> -> memref<1x128x64xf32, #tpu.memory_space<vmem>>
        %dma_wait3A_49 = tpu.memref_squeeze %dma_wait3A_48 : memref<1x128x64xf32, #tpu.memory_space<vmem>> -> memref<128x64xf32, #tpu.memory_space<vmem>>
        %dma_wait3A_50 = arith.constant 0 : i32
        %dma_wait3A_51 = tpu.memref_slice %arg2[%add3A_32, %dma_wait3A_50] : memref<10240x64xf32, #tpu.memory_space<hbm>> -> memref<128x64xf32, #tpu.memory_space<hbm>>
        %dma_wait3A_52 = arith.constant 0 : i32
        %dma_wait3A_53 = arith.constant 0 : i32
        %dma_wait3A_54 = tpu.memref_slice %arg9[%run_scoped3A_33, %dma_wait3A_52, %dma_wait3A_53] : memref<1x128x64xf32, #tpu.memory_space<vmem>> -> memref<1x128x64xf32, #tpu.memory_space<vmem>>
        %dma_wait3A_55 = tpu.memref_squeeze %dma_wait3A_54 : memref<1x128x64xf32, #tpu.memory_space<vmem>> -> memref<128x64xf32, #tpu.memory_space<vmem>>
        %dma_wait3A_56 = arith.constant 0 : i32
        %dma_wait3A_57 = tpu.memref_slice %arg2[%add3A_32, %dma_wait3A_56] : memref<10240x64xf32, #tpu.memory_space<hbm>> -> memref<128x64xf32, #tpu.memory_space<hbm>>
        tpu.wait_dma2 semaphore(%run_scoped3A_35 : memref<!tpu.dma_semaphore, #tpu.memory_space<semaphore_mem>>) src(%dma_wait3A_57 : memref<128x64xf32, #tpu.memory_space<hbm>>) dst(%dma_wait3A_55 : memref<128x64xf32, #tpu.memory_space<vmem>>)
        tpu.yield
      }) : () -> ()
      %run_scoped3A_34 = arith.constant 0 : i32
      "tpu.region"() ({
        %run_scoped3A_35 = tpu.sem_alloc : memref<!tpu.dma_semaphore, #tpu.memory_space<semaphore_mem>>
        %dma_start3A = arith.constant 0 : i32
        %dma_start3A_36 = arith.constant 0 : i32
        %dma_start3A_37 = tpu.memref_slice %arg9[%run_scoped3A_34, %dma_start3A, %dma_start3A_36] : memref<1x128x64xf32, #tpu.memory_space<vmem>> -> memref<1x128x64xf32, #tpu.memory_space<vmem>>
        %dma_start3A_38 = tpu.memref_squeeze %dma_start3A_37 : memref<1x128x64xf32, #tpu.memory_space<vmem>> -> memref<128x64xf32, #tpu.memory_space<vmem>>
        %dma_start3A_39 = arith.constant 0 : i32
        %dma_start3A_40 = tpu.memref_slice %arg11[%add3A_32, %dma_start3A_39] : memref<10240x64xf32, #tpu.memory_space<vmem_shared>> -> memref<128x64xf32, #tpu.memory_space<vmem_shared>>
        %dma_start3A_41 = arith.constant 0 : i32
        %dma_start3A_42 = tpu.memref_slice %arg11[%add3A_32, %dma_start3A_41] : memref<10240x64xf32, #tpu.memory_space<vmem_shared>> -> memref<128x64xf32, #tpu.memory_space<vmem_shared>>
        %dma_start3A_43 = arith.constant 0 : i32
        %dma_start3A_44 = arith.constant 0 : i32
        %dma_start3A_45 = tpu.memref_slice %arg9[%run_scoped3A_34, %dma_start3A_43, %dma_start3A_44] : memref<1x128x64xf32, #tpu.memory_space<vmem>> -> memref<1x128x64xf32, #tpu.memory_space<vmem>>
        %dma_start3A_46 = tpu.memref_squeeze %dma_start3A_45 : memref<1x128x64xf32, #tpu.memory_space<vmem>> -> memref<128x64xf32, #tpu.memory_space<vmem>>
        tpu.enqueue_dma source(%dma_start3A_46 : memref<128x64xf32, #tpu.memory_space<vmem>>) target(%dma_start3A_42 : memref<128x64xf32, #tpu.memory_space<vmem_shared>>) target_semaphore(%run_scoped3A_35 : memref<!tpu.dma_semaphore, #tpu.memory_space<semaphore_mem>>)
        %dma_wait3A = arith.constant 0 : i32
        %dma_wait3A_47 = arith.constant 0 : i32
        %dma_wait3A_48 = tpu.memref_slice %arg9[%run_scoped3A_34, %dma_wait3A, %dma_wait3A_47] : memref<1x128x64xf32, #tpu.memory_space<vmem>> -> memref<1x128x64xf32, #tpu.memory_space<vmem>>
        %dma_wait3A_49 = tpu.memref_squeeze %dma_wait3A_48 : memref<1x128x64xf32, #tpu.memory_space<vmem>> -> memref<128x64xf32, #tpu.memory_space<vmem>>
        %dma_wait3A_50 = arith.constant 0 : i32
        %dma_wait3A_51 = tpu.memref_slice %arg11[%add3A_32, %dma_wait3A_50] : memref<10240x64xf32, #tpu.memory_space<vmem_shared>> -> memref<128x64xf32, #tpu.memory_space<vmem_shared>>
        %dma_wait3A_52 = arith.constant 0 : i32
        %dma_wait3A_53 = tpu.memref_slice %arg11[%add3A_32, %dma_wait3A_52] : memref<10240x64xf32, #tpu.memory_space<vmem_shared>> -> memref<128x64xf32, #tpu.memory_space<vmem_shared>>
        %dma_wait3A_54 = arith.constant 0 : i32
        %dma_wait3A_55 = arith.constant 0 : i32
        %dma_wait3A_56 = tpu.memref_slice %arg9[%run_scoped3A_34, %dma_wait3A_54, %dma_wait3A_55] : memref<1x128x64xf32, #tpu.memory_space<vmem>> -> memref<1x128x64xf32, #tpu.memory_space<vmem>>
        %dma_wait3A_57 = tpu.memref_squeeze %dma_wait3A_56 : memref<1x128x64xf32, #tpu.memory_space<vmem>> -> memref<128x64xf32, #tpu.memory_space<vmem>>
        tpu.wait_dma2 semaphore(%run_scoped3A_35 : memref<!tpu.dma_semaphore, #tpu.memory_space<semaphore_mem>>) src(%dma_wait3A_57 : memref<128x64xf32, #tpu.memory_space<vmem>>) dst(%dma_wait3A_53 : memref<128x64xf32, #tpu.memory_space<vmem_shared>>)
        tpu.yield
      }) : () -> ()
    }
    %scan3A_8 = arith.constant 5 : i32
    %mul3A = arith.constant 2 : i32
    %mul3A_9 = arith.muli %arg1, %mul3A : i32
    %add3A = arith.addi %mul3A_9, %arg0 : i32
    %barrier3A = arith.constant 0 : index
    tpu.barrier barrier_id(%barrier3A)
    %scan3A_10 = arith.constant 0 : i32
    %mul3A_11 = arith.constant 80 : i32
    %mul3A_12 = arith.muli %scan3A_10, %mul3A_11 : i32
    "tpu.region"() ({
      %run_scoped3A_27 = tpu.sem_alloc : memref<!tpu.dma_semaphore, #tpu.memory_space<semaphore_mem>>
      %dma_start3A = arith.constant 0 : i32
      %dma_start3A_28 = arith.constant 0 : i32
      %dma_start3A_29 = tpu.memref_slice %arg3[%add3A, %dma_start3A, %dma_start3A_28] : memref<32x80x128xi32, #tpu.memory_space<hbm>> -> memref<1x80x128xi32, #tpu.memory_space<hbm>>
      %dma_start3A_30 = tpu.memref_squeeze %dma_start3A_29 : memref<1x80x128xi32, #tpu.memory_space<hbm>> -> memref<80x128xi32, #tpu.memory_space<hbm>>
      %dma_start3A_31 = arith.constant 0 : i32
      %dma_start3A_32 = tpu.memref_slice %dma_start3A_30[%mul3A_12, %dma_start3A_31] : memref<80x128xi32, #tpu.memory_space<hbm>> -> memref<80x128xi32, #tpu.memory_space<hbm>>
      %dma_start3A_33 = arith.constant 0 : i32
      %dma_start3A_34 = arith.constant 0 : i32
      %dma_start3A_35 = tpu.memref_slice %arg3[%add3A, %dma_start3A_33, %dma_start3A_34] : memref<32x80x128xi32, #tpu.memory_space<hbm>> -> memref<1x80x128xi32, #tpu.memory_space<hbm>>
      %dma_start3A_36 = tpu.memref_squeeze %dma_start3A_35 : memref<1x80x128xi32, #tpu.memory_space<hbm>> -> memref<80x128xi32, #tpu.memory_space<hbm>>
      %dma_start3A_37 = arith.constant 0 : i32
      %dma_start3A_38 = tpu.memref_slice %dma_start3A_36[%mul3A_12, %dma_start3A_37] : memref<80x128xi32, #tpu.memory_space<hbm>> -> memref<80x128xi32, #tpu.memory_space<hbm>>
      tpu.enqueue_dma source(%dma_start3A_38 : memref<80x128xi32, #tpu.memory_space<hbm>>) target(%arg7 : memref<80x128xi32, #tpu.memory_space<vmem>>) target_semaphore(%run_scoped3A_27 : memref<!tpu.dma_semaphore, #tpu.memory_space<semaphore_mem>>)
      %dma_wait3A = arith.constant 0 : i32
      %dma_wait3A_39 = arith.constant 0 : i32
      %dma_wait3A_40 = tpu.memref_slice %arg3[%add3A, %dma_wait3A, %dma_wait3A_39] : memref<32x80x128xi32, #tpu.memory_space<hbm>> -> memref<1x80x128xi32, #tpu.memory_space<hbm>>
      %dma_wait3A_41 = tpu.memref_squeeze %dma_wait3A_40 : memref<1x80x128xi32, #tpu.memory_space<hbm>> -> memref<80x128xi32, #tpu.memory_space<hbm>>
      %dma_wait3A_42 = arith.constant 0 : i32
      %dma_wait3A_43 = tpu.memref_slice %dma_wait3A_41[%mul3A_12, %dma_wait3A_42] : memref<80x128xi32, #tpu.memory_space<hbm>> -> memref<80x128xi32, #tpu.memory_space<hbm>>
      %dma_wait3A_44 = arith.constant 0 : i32
      %dma_wait3A_45 = arith.constant 0 : i32
      %dma_wait3A_46 = tpu.memref_slice %arg3[%add3A, %dma_wait3A_44, %dma_wait3A_45] : memref<32x80x128xi32, #tpu.memory_space<hbm>> -> memref<1x80x128xi32, #tpu.memory_space<hbm>>
      %dma_wait3A_47 = tpu.memref_squeeze %dma_wait3A_46 : memref<1x80x128xi32, #tpu.memory_space<hbm>> -> memref<80x128xi32, #tpu.memory_space<hbm>>
      %dma_wait3A_48 = arith.constant 0 : i32
      %dma_wait3A_49 = tpu.memref_slice %dma_wait3A_47[%mul3A_12, %dma_wait3A_48] : memref<80x128xi32, #tpu.memory_space<hbm>> -> memref<80x128xi32, #tpu.memory_space<hbm>>
      tpu.wait_dma2 semaphore(%run_scoped3A_27 : memref<!tpu.dma_semaphore, #tpu.memory_space<semaphore_mem>>) src(%dma_wait3A_49 : memref<80x128xi32, #tpu.memory_space<hbm>>) dst(%arg7 : memref<80x128xi32, #tpu.memory_space<vmem>>)
      tpu.yield
    }) : () -> ()
    %mul3A_13 = arith.constant 80 : i32
    %mul3A_14 = arith.muli %scan3A_10, %mul3A_13 : i32
    "tpu.region"() ({
      %run_scoped3A_27 = tpu.sem_alloc : memref<!tpu.dma_semaphore, #tpu.memory_space<semaphore_mem>>
      %dma_start3A = arith.constant 0 : i32
      %dma_start3A_28 = arith.constant 0 : i32
      %dma_start3A_29 = tpu.memref_slice %arg4[%add3A, %dma_start3A, %dma_start3A_28] : memref<32x80x128xi32, #tpu.memory_space<hbm>> -> memref<1x80x128xi32, #tpu.memory_space<hbm>>
      %dma_start3A_30 = tpu.memref_squeeze %dma_start3A_29 : memref<1x80x128xi32, #tpu.memory_space<hbm>> -> memref<80x128xi32, #tpu.memory_space<hbm>>
      %dma_start3A_31 = arith.constant 0 : i32
      %dma_start3A_32 = tpu.memref_slice %dma_start3A_30[%mul3A_14, %dma_start3A_31] : memref<80x128xi32, #tpu.memory_space<hbm>> -> memref<80x128xi32, #tpu.memory_space<hbm>>
      %dma_start3A_33 = arith.constant 0 : i32
      %dma_start3A_34 = arith.constant 0 : i32
      %dma_start3A_35 = tpu.memref_slice %arg4[%add3A, %dma_start3A_33, %dma_start3A_34] : memref<32x80x128xi32, #tpu.memory_space<hbm>> -> memref<1x80x128xi32, #tpu.memory_space<hbm>>
      %dma_start3A_36 = tpu.memref_squeeze %dma_start3A_35 : memref<1x80x128xi32, #tpu.memory_space<hbm>> -> memref<80x128xi32, #tpu.memory_space<hbm>>
      %dma_start3A_37 = arith.constant 0 : i32
      %dma_start3A_38 = tpu.memref_slice %dma_start3A_36[%mul3A_14, %dma_start3A_37] : memref<80x128xi32, #tpu.memory_space<hbm>> -> memref<80x128xi32, #tpu.memory_space<hbm>>
      tpu.enqueue_dma source(%dma_start3A_38 : memref<80x128xi32, #tpu.memory_space<hbm>>) target(%arg8 : memref<80x128xi32, #tpu.memory_space<vmem>>) target_semaphore(%run_scoped3A_27 : memref<!tpu.dma_semaphore, #tpu.memory_space<semaphore_mem>>)
      %dma_wait3A = arith.constant 0 : i32
      %dma_wait3A_39 = arith.constant 0 : i32
      %dma_wait3A_40 = tpu.memref_slice %arg4[%add3A, %dma_wait3A, %dma_wait3A_39] : memref<32x80x128xi32, #tpu.memory_space<hbm>> -> memref<1x80x128xi32, #tpu.memory_space<hbm>>
      %dma_wait3A_41 = tpu.memref_squeeze %dma_wait3A_40 : memref<1x80x128xi32, #tpu.memory_space<hbm>> -> memref<80x128xi32, #tpu.memory_space<hbm>>
      %dma_wait3A_42 = arith.constant 0 : i32
      %dma_wait3A_43 = tpu.memref_slice %dma_wait3A_41[%mul3A_14, %dma_wait3A_42] : memref<80x128xi32, #tpu.memory_space<hbm>> -> memref<80x128xi32, #tpu.memory_space<hbm>>
      %dma_wait3A_44 = arith.constant 0 : i32
      %dma_wait3A_45 = arith.constant 0 : i32
      %dma_wait3A_46 = tpu.memref_slice %arg4[%add3A, %dma_wait3A_44, %dma_wait3A_45] : memref<32x80x128xi32, #tpu.memory_space<hbm>> -> memref<1x80x128xi32, #tpu.memory_space<hbm>>
      %dma_wait3A_47 = tpu.memref_squeeze %dma_wait3A_46 : memref<1x80x128xi32, #tpu.memory_space<hbm>> -> memref<80x128xi32, #tpu.memory_space<hbm>>
      %dma_wait3A_48 = arith.constant 0 : i32
      %dma_wait3A_49 = tpu.memref_slice %dma_wait3A_47[%mul3A_14, %dma_wait3A_48] : memref<80x128xi32, #tpu.memory_space<hbm>> -> memref<80x128xi32, #tpu.memory_space<hbm>>
      tpu.wait_dma2 semaphore(%run_scoped3A_27 : memref<!tpu.dma_semaphore, #tpu.memory_space<semaphore_mem>>) src(%dma_wait3A_49 : memref<80x128xi32, #tpu.memory_space<hbm>>) dst(%arg8 : memref<80x128xi32, #tpu.memory_space<vmem>>)
      tpu.yield
    }) : () -> ()
    %scan3A_15 = arith.constant 0 : i32
    %scan3A_16 = arith.constant 80 : i32
    %scan3A_17 = arith.addi %scan3A_15, %scan3A_16 : i32
    %scan3A_18 = arith.constant 1 : i32
    scf.for %scan3A_27 = %scan3A_15 to %scan3A_17 step %scan3A_18  : i32 {
      %dma_start3A = arith.constant 0 : i32
      %dma_start3A_28 = arith.constant 0 : i32
      %dma_start3A_29 = arith.constant 0 : i32
      %dma_start3A_30 = tpu.memref_slice %arg9[%dma_start3A, %dma_start3A_28, %dma_start3A_29] : memref<1x128x64xf32, #tpu.memory_space<vmem>> -> memref<1x128x64xf32, #tpu.memory_space<vmem>>
      %dma_start3A_31 = tpu.memref_squeeze %dma_start3A_30 : memref<1x128x64xf32, #tpu.memory_space<vmem>> -> memref<128x64xf32, #tpu.memory_space<vmem>>
      %dma_start3A_32 = arith.constant 0 : i32
      %dma_start3A_33 = tpu.memref_slice %arg7[%scan3A_27, %dma_start3A_32] : memref<80x128xi32, #tpu.memory_space<vmem>> -> memref<1x128xi32, #tpu.memory_space<vmem>>
      %dma_start3A_34 = tpu.memref_squeeze %dma_start3A_33 : memref<1x128xi32, #tpu.memory_space<vmem>> -> memref<128xi32, #tpu.memory_space<vmem>>
      %dma_start3A_35 = arith.constant 0 : i32
      %dma_start3A_36 = arith.constant 0 : i32
      %dma_start3A_37 = tpu.memref_slice %arg11[%dma_start3A_35, %dma_start3A_36] : memref<10240x64xf32, #tpu.memory_space<vmem_shared>> -> memref<10240x64xf32, #tpu.memory_space<vmem_shared>>
      tpu.enqueue_indirect_dma source(%dma_start3A_37 : memref<10240x64xf32, #tpu.memory_space<vmem_shared>>) target(%dma_start3A_31 : memref<128x64xf32, #tpu.memory_space<vmem>>) offsets(%dma_start3A_34 : memref<128xi32, #tpu.memory_space<vmem>>) semaphore(%arg12 : memref<!tpu.dma_semaphore, #tpu.memory_space<semaphore_mem>>)
      %dma_wait3A = arith.constant 0 : i32
      %dma_wait3A_38 = arith.constant 0 : i32
      %dma_wait3A_39 = arith.constant 0 : i32
      %dma_wait3A_40 = tpu.memref_slice %arg9[%dma_wait3A, %dma_wait3A_38, %dma_wait3A_39] : memref<1x128x64xf32, #tpu.memory_space<vmem>> -> memref<1x128x64xf32, #tpu.memory_space<vmem>>
      %dma_wait3A_41 = tpu.memref_squeeze %dma_wait3A_40 : memref<1x128x64xf32, #tpu.memory_space<vmem>> -> memref<128x64xf32, #tpu.memory_space<vmem>>
      %dma_wait3A_42 = arith.constant 0 : i32
      %dma_wait3A_43 = tpu.memref_slice %arg7[%scan3A_27, %dma_wait3A_42] : memref<80x128xi32, #tpu.memory_space<vmem>> -> memref<1x128xi32, #tpu.memory_space<vmem>>
      %dma_wait3A_44 = tpu.memref_squeeze %dma_wait3A_43 : memref<1x128xi32, #tpu.memory_space<vmem>> -> memref<128xi32, #tpu.memory_space<vmem>>
      %dma_wait3A_45 = arith.constant 0 : i32
      %dma_wait3A_46 = arith.constant 0 : i32
      %dma_wait3A_47 = tpu.memref_slice %arg11[%dma_wait3A_45, %dma_wait3A_46] : memref<10240x64xf32, #tpu.memory_space<vmem_shared>> -> memref<10240x64xf32, #tpu.memory_space<vmem_shared>>
      tpu.wait_indirect_dma semaphore(%arg12 : memref<!tpu.dma_semaphore, #tpu.memory_space<semaphore_mem>>) src(%dma_wait3A_47 : memref<10240x64xf32, #tpu.memory_space<vmem_shared>>) dst(%dma_wait3A_41 : memref<128x64xf32, #tpu.memory_space<vmem>>)
      %run_scoped3A_48 = arith.constant 0 : i32
      "tpu.region"() ({
        %run_scoped3A_49 = tpu.sem_alloc : memref<!tpu.dma_semaphore, #tpu.memory_space<semaphore_mem>>
        %dma_start3A_50 = arith.constant 0 : i32
        %dma_start3A_51 = arith.constant 0 : i32
        %dma_start3A_52 = tpu.memref_slice %arg9[%run_scoped3A_48, %dma_start3A_50, %dma_start3A_51] : memref<1x128x64xf32, #tpu.memory_space<vmem>> -> memref<1x128x64xf32, #tpu.memory_space<vmem>>
        %dma_start3A_53 = tpu.memref_squeeze %dma_start3A_52 : memref<1x128x64xf32, #tpu.memory_space<vmem>> -> memref<128x64xf32, #tpu.memory_space<vmem>>
        %dma_start3A_54 = arith.constant 0 : i32
        %dma_start3A_55 = tpu.memref_slice %arg8[%scan3A_27, %dma_start3A_54] : memref<80x128xi32, #tpu.memory_space<vmem>> -> memref<1x128xi32, #tpu.memory_space<vmem>>
        %dma_start3A_56 = tpu.memref_squeeze %dma_start3A_55 : memref<1x128xi32, #tpu.memory_space<vmem>> -> memref<128xi32, #tpu.memory_space<vmem>>
        %dma_start3A_57 = arith.constant 0 : i32
        %dma_start3A_58 = arith.constant 0 : i32
        %dma_start3A_59 = tpu.memref_slice %arg10[%dma_start3A_57, %dma_start3A_58] : memref<10240x64xf32, #tpu.memory_space<vmem_shared>> -> memref<10240x64xf32, #tpu.memory_space<vmem_shared>>
        tpu.enqueue_indirect_dma source(%dma_start3A_53 : memref<128x64xf32, #tpu.memory_space<vmem>>) target(%dma_start3A_59 : memref<10240x64xf32, #tpu.memory_space<vmem_shared>>) offsets(%dma_start3A_56 : memref<128xi32, #tpu.memory_space<vmem>>) semaphore(%run_scoped3A_49 : memref<!tpu.dma_semaphore, #tpu.memory_space<semaphore_mem>>) {add = true}
        %dma_wait3A_60 = arith.constant 0 : i32
        %dma_wait3A_61 = arith.constant 0 : i32
        %dma_wait3A_62 = tpu.memref_slice %arg9[%run_scoped3A_48, %dma_wait3A_60, %dma_wait3A_61] : memref<1x128x64xf32, #tpu.memory_space<vmem>> -> memref<1x128x64xf32, #tpu.memory_space<vmem>>
        %dma_wait3A_63 = tpu.memref_squeeze %dma_wait3A_62 : memref<1x128x64xf32, #tpu.memory_space<vmem>> -> memref<128x64xf32, #tpu.memory_space<vmem>>
        %dma_wait3A_64 = arith.constant 0 : i32
        %dma_wait3A_65 = tpu.memref_slice %arg8[%scan3A_27, %dma_wait3A_64] : memref<80x128xi32, #tpu.memory_space<vmem>> -> memref<1x128xi32, #tpu.memory_space<vmem>>
        %dma_wait3A_66 = tpu.memref_squeeze %dma_wait3A_65 : memref<1x128xi32, #tpu.memory_space<vmem>> -> memref<128xi32, #tpu.memory_space<vmem>>
        %dma_wait3A_67 = arith.constant 0 : i32
        %dma_wait3A_68 = arith.constant 0 : i32
        %dma_wait3A_69 = tpu.memref_slice %arg10[%dma_wait3A_67, %dma_wait3A_68] : memref<10240x64xf32, #tpu.memory_space<vmem_shared>> -> memref<10240x64xf32, #tpu.memory_space<vmem_shared>>
        tpu.wait_indirect_dma semaphore(%run_scoped3A_49 : memref<!tpu.dma_semaphore, #tpu.memory_space<semaphore_mem>>) src(%dma_wait3A_63 : memref<128x64xf32, #tpu.memory_space<vmem>>) dst(%dma_wait3A_69 : memref<10240x64xf32, #tpu.memory_space<vmem_shared>>)
        tpu.yield
      }) : () -> ()
    }
    %scan3A_19 = arith.constant 80 : i32
    %scan3A_20 = arith.constant 1 : i32
    %barrier3A_21 = arith.constant 0 : index
    tpu.barrier barrier_id(%barrier3A_21)
    %scan3A_22 = arith.constant 0 : i32
    %scan3A_23 = arith.constant 5 : i32
    %scan3A_24 = arith.addi %scan3A_22, %scan3A_23 : i32
    %scan3A_25 = arith.constant 1 : i32
    scf.for %scan3A_27 = %scan3A_22 to %scan3A_24 step %scan3A_25  : i32 {
      %mul3A_28 = arith.constant 640 : i32
      %mul3A_29 = arith.muli %arg1, %mul3A_28 : i32
      %mul3A_30 = arith.constant 128 : i32
      %mul3A_31 = arith.muli %scan3A_27, %mul3A_30 : i32
      %add3A_32 = arith.addi %mul3A_29, %mul3A_31 : i32
      %run_scoped3A_33 = arith.constant 0 : i32
      "tpu.region"() ({
        %run_scoped3A_35 = tpu.sem_alloc : memref<!tpu.dma_semaphore, #tpu.memory_space<semaphore_mem>>
        %dma_start3A = arith.constant 0 : i32
        %dma_start3A_36 = arith.constant 0 : i32
        %dma_start3A_37 = tpu.memref_slice %arg9[%run_scoped3A_33, %dma_start3A, %dma_start3A_36] : memref<1x128x64xf32, #tpu.memory_space<vmem>> -> memref<1x128x64xf32, #tpu.memory_space<vmem>>
        %dma_start3A_38 = tpu.memref_squeeze %dma_start3A_37 : memref<1x128x64xf32, #tpu.memory_space<vmem>> -> memref<128x64xf32, #tpu.memory_space<vmem>>
        %dma_start3A_39 = arith.constant 0 : i32
        %dma_start3A_40 = tpu.memref_slice %arg10[%add3A_32, %dma_start3A_39] : memref<10240x64xf32, #tpu.memory_space<vmem_shared>> -> memref<128x64xf32, #tpu.memory_space<vmem_shared>>
        %dma_start3A_41 = arith.constant 0 : i32
        %dma_start3A_42 = arith.constant 0 : i32
        %dma_start3A_43 = tpu.memref_slice %arg9[%run_scoped3A_33, %dma_start3A_41, %dma_start3A_42] : memref<1x128x64xf32, #tpu.memory_space<vmem>> -> memref<1x128x64xf32, #tpu.memory_space<vmem>>
        %dma_start3A_44 = tpu.memref_squeeze %dma_start3A_43 : memref<1x128x64xf32, #tpu.memory_space<vmem>> -> memref<128x64xf32, #tpu.memory_space<vmem>>
        %dma_start3A_45 = arith.constant 0 : i32
        %dma_start3A_46 = tpu.memref_slice %arg10[%add3A_32, %dma_start3A_45] : memref<10240x64xf32, #tpu.memory_space<vmem_shared>> -> memref<128x64xf32, #tpu.memory_space<vmem_shared>>
        tpu.enqueue_dma source(%dma_start3A_46 : memref<128x64xf32, #tpu.memory_space<vmem_shared>>) target(%dma_start3A_44 : memref<128x64xf32, #tpu.memory_space<vmem>>) target_semaphore(%run_scoped3A_35 : memref<!tpu.dma_semaphore, #tpu.memory_space<semaphore_mem>>)
        %dma_wait3A = arith.constant 0 : i32
        %dma_wait3A_47 = arith.constant 0 : i32
        %dma_wait3A_48 = tpu.memref_slice %arg9[%run_scoped3A_33, %dma_wait3A, %dma_wait3A_47] : memref<1x128x64xf32, #tpu.memory_space<vmem>> -> memref<1x128x64xf32, #tpu.memory_space<vmem>>
        %dma_wait3A_49 = tpu.memref_squeeze %dma_wait3A_48 : memref<1x128x64xf32, #tpu.memory_space<vmem>> -> memref<128x64xf32, #tpu.memory_space<vmem>>
        %dma_wait3A_50 = arith.constant 0 : i32
        %dma_wait3A_51 = tpu.memref_slice %arg10[%add3A_32, %dma_wait3A_50] : memref<10240x64xf32, #tpu.memory_space<vmem_shared>> -> memref<128x64xf32, #tpu.memory_space<vmem_shared>>
        %dma_wait3A_52 = arith.constant 0 : i32
        %dma_wait3A_53 = arith.constant 0 : i32
        %dma_wait3A_54 = tpu.memref_slice %arg9[%run_scoped3A_33, %dma_wait3A_52, %dma_wait3A_53] : memref<1x128x64xf32, #tpu.memory_space<vmem>> -> memref<1x128x64xf32, #tpu.memory_space<vmem>>
        %dma_wait3A_55 = tpu.memref_squeeze %dma_wait3A_54 : memref<1x128x64xf32, #tpu.memory_space<vmem>> -> memref<128x64xf32, #tpu.memory_space<vmem>>
        %dma_wait3A_56 = arith.constant 0 : i32
        %dma_wait3A_57 = tpu.memref_slice %arg10[%add3A_32, %dma_wait3A_56] : memref<10240x64xf32, #tpu.memory_space<vmem_shared>> -> memref<128x64xf32, #tpu.memory_space<vmem_shared>>
        tpu.wait_dma2 semaphore(%run_scoped3A_35 : memref<!tpu.dma_semaphore, #tpu.memory_space<semaphore_mem>>) src(%dma_wait3A_57 : memref<128x64xf32, #tpu.memory_space<vmem_shared>>) dst(%dma_wait3A_55 : memref<128x64xf32, #tpu.memory_space<vmem>>)
        tpu.yield
      }) : () -> ()
      %run_scoped3A_34 = arith.constant 0 : i32
      "tpu.region"() ({
        %run_scoped3A_35 = tpu.sem_alloc : memref<!tpu.dma_semaphore, #tpu.memory_space<semaphore_mem>>
        %dma_start3A = arith.constant 0 : i32
        %dma_start3A_36 = arith.constant 0 : i32
        %dma_start3A_37 = tpu.memref_slice %arg9[%run_scoped3A_34, %dma_start3A, %dma_start3A_36] : memref<1x128x64xf32, #tpu.memory_space<vmem>> -> memref<1x128x64xf32, #tpu.memory_space<vmem>>
        %dma_start3A_38 = tpu.memref_squeeze %dma_start3A_37 : memref<1x128x64xf32, #tpu.memory_space<vmem>> -> memref<128x64xf32, #tpu.memory_space<vmem>>
        %dma_start3A_39 = arith.constant 0 : i32
        %dma_start3A_40 = arith.constant 0 : i32
        %dma_start3A_41 = tpu.memref_slice %arg6[%arg0, %dma_start3A_39, %dma_start3A_40] : memref<2x10240x64xf32, #tpu.memory_space<hbm>> -> memref<1x10240x64xf32, #tpu.memory_space<hbm>>
        %dma_start3A_42 = tpu.memref_squeeze %dma_start3A_41 : memref<1x10240x64xf32, #tpu.memory_space<hbm>> -> memref<10240x64xf32, #tpu.memory_space<hbm>>
        %dma_start3A_43 = arith.constant 0 : i32
        %dma_start3A_44 = tpu.memref_slice %dma_start3A_42[%add3A_32, %dma_start3A_43] : memref<10240x64xf32, #tpu.memory_space<hbm>> -> memref<128x64xf32, #tpu.memory_space<hbm>>
        %dma_start3A_45 = arith.constant 0 : i32
        %dma_start3A_46 = arith.constant 0 : i32
        %dma_start3A_47 = tpu.memref_slice %arg6[%arg0, %dma_start3A_45, %dma_start3A_46] : memref<2x10240x64xf32, #tpu.memory_space<hbm>> -> memref<1x10240x64xf32, #tpu.memory_space<hbm>>
        %dma_start3A_48 = tpu.memref_squeeze %dma_start3A_47 : memref<1x10240x64xf32, #tpu.memory_space<hbm>> -> memref<10240x64xf32, #tpu.memory_space<hbm>>
        %dma_start3A_49 = arith.constant 0 : i32
        %dma_start3A_50 = tpu.memref_slice %dma_start3A_48[%add3A_32, %dma_start3A_49] : memref<10240x64xf32, #tpu.memory_space<hbm>> -> memref<128x64xf32, #tpu.memory_space<hbm>>
        %dma_start3A_51 = arith.constant 0 : i32
        %dma_start3A_52 = arith.constant 0 : i32
        %dma_start3A_53 = tpu.memref_slice %arg9[%run_scoped3A_34, %dma_start3A_51, %dma_start3A_52] : memref<1x128x64xf32, #tpu.memory_space<vmem>> -> memref<1x128x64xf32, #tpu.memory_space<vmem>>
        %dma_start3A_54 = tpu.memref_squeeze %dma_start3A_53 : memref<1x128x64xf32, #tpu.memory_space<vmem>> -> memref<128x64xf32, #tpu.memory_space<vmem>>
        tpu.enqueue_dma source(%dma_start3A_54 : memref<128x64xf32, #tpu.memory_space<vmem>>) target(%dma_start3A_50 : memref<128x64xf32, #tpu.memory_space<hbm>>) target_semaphore(%run_scoped3A_35 : memref<!tpu.dma_semaphore, #tpu.memory_space<semaphore_mem>>)
        %dma_wait3A = arith.constant 0 : i32
        %dma_wait3A_55 = arith.constant 0 : i32
        %dma_wait3A_56 = tpu.memref_slice %arg9[%run_scoped3A_34, %dma_wait3A, %dma_wait3A_55] : memref<1x128x64xf32, #tpu.memory_space<vmem>> -> memref<1x128x64xf32, #tpu.memory_space<vmem>>
        %dma_wait3A_57 = tpu.memref_squeeze %dma_wait3A_56 : memref<1x128x64xf32, #tpu.memory_space<vmem>> -> memref<128x64xf32, #tpu.memory_space<vmem>>
        %dma_wait3A_58 = arith.constant 0 : i32
        %dma_wait3A_59 = arith.constant 0 : i32
        %dma_wait3A_60 = tpu.memref_slice %arg6[%arg0, %dma_wait3A_58, %dma_wait3A_59] : memref<2x10240x64xf32, #tpu.memory_space<hbm>> -> memref<1x10240x64xf32, #tpu.memory_space<hbm>>
        %dma_wait3A_61 = tpu.memref_squeeze %dma_wait3A_60 : memref<1x10240x64xf32, #tpu.memory_space<hbm>> -> memref<10240x64xf32, #tpu.memory_space<hbm>>
        %dma_wait3A_62 = arith.constant 0 : i32
        %dma_wait3A_63 = tpu.memref_slice %dma_wait3A_61[%add3A_32, %dma_wait3A_62] : memref<10240x64xf32, #tpu.memory_space<hbm>> -> memref<128x64xf32, #tpu.memory_space<hbm>>
        %dma_wait3A_64 = arith.constant 0 : i32
        %dma_wait3A_65 = arith.constant 0 : i32
        %dma_wait3A_66 = tpu.memref_slice %arg6[%arg0, %dma_wait3A_64, %dma_wait3A_65] : memref<2x10240x64xf32, #tpu.memory_space<hbm>> -> memref<1x10240x64xf32, #tpu.memory_space<hbm>>
        %dma_wait3A_67 = tpu.memref_squeeze %dma_wait3A_66 : memref<1x10240x64xf32, #tpu.memory_space<hbm>> -> memref<10240x64xf32, #tpu.memory_space<hbm>>
        %dma_wait3A_68 = arith.constant 0 : i32
        %dma_wait3A_69 = tpu.memref_slice %dma_wait3A_67[%add3A_32, %dma_wait3A_68] : memref<10240x64xf32, #tpu.memory_space<hbm>> -> memref<128x64xf32, #tpu.memory_space<hbm>>
        %dma_wait3A_70 = arith.constant 0 : i32
        %dma_wait3A_71 = arith.constant 0 : i32
        %dma_wait3A_72 = tpu.memref_slice %arg9[%run_scoped3A_34, %dma_wait3A_70, %dma_wait3A_71] : memref<1x128x64xf32, #tpu.memory_space<vmem>> -> memref<1x128x64xf32, #tpu.memory_space<vmem>>
        %dma_wait3A_73 = tpu.memref_squeeze %dma_wait3A_72 : memref<1x128x64xf32, #tpu.memory_space<vmem>> -> memref<128x64xf32, #tpu.memory_space<vmem>>
        tpu.wait_dma2 semaphore(%run_scoped3A_35 : memref<!tpu.dma_semaphore, #tpu.memory_space<semaphore_mem>>) src(%dma_wait3A_73 : memref<128x64xf32, #tpu.memory_space<vmem>>) dst(%dma_wait3A_69 : memref<128x64xf32, #tpu.memory_space<hbm>>)
        tpu.yield
      }) : () -> ()
    }
    %scan3A_26 = arith.constant 5 : i32
    return
  }
}

module attributes {stable_mosaic.version = 14 : i64} {
  func.func @_tc_mid_body(%arg0: i32, %arg1: memref<1000x128xf32, #tpu.memory_space<vmem>>, %arg2: memref<2x1000x80xf32, #tpu.memory_space<vmem>>, %arg3: memref<128x128xf32, #tpu.memory_space<vmem>>, %arg4: memref<128x128xf32, #tpu.memory_space<vmem>>, %arg5: memref<1x128xf32, #tpu.memory_space<vmem>>, %arg6: memref<128x64xf32, #tpu.memory_space<vmem>>, %arg7: memref<128x64xf32, #tpu.memory_space<vmem>>, %arg8: memref<1x64xf32, #tpu.memory_space<vmem>>, %arg9: memref<1000x64xf32, #tpu.memory_space<vmem>>, %arg10: memref<1000x64xf32, #tpu.memory_space<vmem>>) attributes {dimension_semantics = [#tpu.dimension_semantics<arbitrary>], iteration_bounds = array<i64: 10>, scalar_prefetch = 0 : i64, scratch_operands = 0 : i64, tpu.core_type = #tpu.core_type<tc>, window_params = [{transform_indices = @transform_0, window_bounds = array<i64: 1000, 128>}, {transform_indices = @transform_1, window_bounds = array<i64: 2, 1000, 80>}, {pipeline_mode = #tpu.pipeline_mode<synchronous>, transform_indices = @transform_2, window_bounds = array<i64: 128, 128>}, {pipeline_mode = #tpu.pipeline_mode<synchronous>, transform_indices = @transform_3, window_bounds = array<i64: 128, 128>}, {pipeline_mode = #tpu.pipeline_mode<synchronous>, transform_indices = @transform_4, window_bounds = array<i64: 1, 128>}, {pipeline_mode = #tpu.pipeline_mode<synchronous>, transform_indices = @transform_5, window_bounds = array<i64: 128, 64>}, {pipeline_mode = #tpu.pipeline_mode<synchronous>, transform_indices = @transform_6, window_bounds = array<i64: 128, 64>}, {pipeline_mode = #tpu.pipeline_mode<synchronous>, transform_indices = @transform_7, window_bounds = array<i64: 1, 64>}, {transform_indices = @transform_8, window_bounds = array<i64: 1000, 64>}, {transform_indices = @transform_9, window_bounds = array<i64: 1000, 64>}]} {
    %get3A = arith.constant 0 : index
    %get3A_0 = arith.constant 0 : index
    %get3A_1 = vector.load %arg1[%get3A, %get3A_0] : memref<1000x128xf32, #tpu.memory_space<vmem>>, vector<1000x128xf32>
    %get3A_2 = arith.constant 0 : index
    %get3A_3 = arith.constant 0 : index
    %get3A_4 = arith.constant 0 : index
    %get3A_5 = vector.load %arg2[%get3A_2, %get3A_3, %get3A_4] : memref<2x1000x80xf32, #tpu.memory_space<vmem>>, vector<1x1000x64xf32>
    %get3A_6 = vector.shape_cast %get3A_5 : vector<1x1000x64xf32> to vector<1000x64xf32>
    %get3A_7 = arith.constant 1 : index
    %get3A_8 = arith.constant 0 : index
    %get3A_9 = arith.constant 0 : index
    %get3A_10 = vector.load %arg2[%get3A_7, %get3A_8, %get3A_9] : memref<2x1000x80xf32, #tpu.memory_space<vmem>>, vector<1x1000x64xf32>
    %get3A_11 = vector.shape_cast %get3A_10 : vector<1x1000x64xf32> to vector<1000x64xf32>
    %concatenate3A = tpu.concatenate %get3A_6, %get3A_11 in 1 : vector<1000x64xf32>, vector<1000x64xf32> -> vector<1000x128xf32>
    %get3A_12 = arith.constant 0 : index
    %get3A_13 = arith.constant 0 : index
    %get3A_14 = arith.constant 64 : index
    %get3A_15 = vector.load %arg2[%get3A_12, %get3A_13, %get3A_14] : memref<2x1000x80xf32, #tpu.memory_space<vmem>>, vector<1x1000x1xf32>
    %get3A_16 = vector.shape_cast %get3A_15 : vector<1x1000x1xf32> to vector<1000x1xf32>
    %max3A = arith.constant 1.000000e+00 : f32
    %max3A_17 = vector.broadcast %max3A : f32 to vector<1000x1xf32>
    %max3A_18 = arith.maximumf %get3A_16, %max3A_17 : vector<1000x1xf32>
    %div3A = vector.broadcast %max3A_18 : vector<1000x1xf32> to vector<1000x128xf32>
    %div3A_19 = arith.divf %concatenate3A, %div3A : vector<1000x128xf32>
    %get3A_20 = arith.constant 0 : index
    %get3A_21 = arith.constant 0 : index
    %get3A_22 = vector.load %arg3[%get3A_20, %get3A_21] : memref<128x128xf32, #tpu.memory_space<vmem>>, vector<128x128xf32>
    %dot_general3A = arith.constant dense<0.000000e+00> : vector<1000x128xf32>
    %dot_general3A_23 = tpu.matmul %get3A_1, %get3A_22, %dot_general3A {dimension_numbers = #tpu.dot_dimension_numbers<[1], [0], [0], [1], [0, 0, 1, 1], [], []>, precision = #tpu.contract_precision<fp32>, transpose_lhs_hint = false} : vector<1000x128xf32>, vector<128x128xf32>, vector<1000x128xf32> -> vector<1000x128xf32>
    %get3A_24 = arith.constant 0 : index
    %get3A_25 = arith.constant 0 : index
    %get3A_26 = vector.load %arg4[%get3A_24, %get3A_25] : memref<128x128xf32, #tpu.memory_space<vmem>>, vector<128x128xf32>
    %dot_general3A_27 = arith.constant dense<0.000000e+00> : vector<1000x128xf32>
    %dot_general3A_28 = tpu.matmul %div3A_19, %get3A_26, %dot_general3A_27 {dimension_numbers = #tpu.dot_dimension_numbers<[1], [0], [0], [1], [0, 0, 1, 1], [], []>, precision = #tpu.contract_precision<fp32>, transpose_lhs_hint = false} : vector<1000x128xf32>, vector<128x128xf32>, vector<1000x128xf32> -> vector<1000x128xf32>
    %add3A = arith.addf %dot_general3A_23, %dot_general3A_28 : vector<1000x128xf32>
    %get3A_29 = arith.constant 0 : index
    %get3A_30 = arith.constant 0 : index
    %get3A_31 = vector.load %arg5[%get3A_29, %get3A_30] : memref<1x128xf32, #tpu.memory_space<vmem>>, vector<1x128xf32>
    %add3A_32 = vector.broadcast %get3A_31 : vector<1x128xf32> to vector<1000x128xf32>
    %add3A_33 = arith.addf %add3A, %add3A_32 : vector<1000x128xf32>
    %max3A_34 = arith.constant 0.000000e+00 : f32
    %max3A_35 = vector.broadcast %max3A_34 : f32 to vector<1000x128xf32>
    %max3A_36 = arith.maximumf %add3A_33, %max3A_35 : vector<1000x128xf32>
    %get3A_37 = arith.constant 0 : index
    %get3A_38 = arith.constant 0 : index
    %get3A_39 = vector.load %arg7[%get3A_37, %get3A_38] : memref<128x64xf32, #tpu.memory_space<vmem>>, vector<128x64xf32>
    %dot_general3A_40 = arith.constant dense<0.000000e+00> : vector<1000x64xf32>
    %dot_general3A_41 = tpu.matmul %max3A_36, %get3A_39, %dot_general3A_40 {dimension_numbers = #tpu.dot_dimension_numbers<[1], [0], [0], [1], [0, 0, 1, 1], [], []>, precision = #tpu.contract_precision<fp32>, transpose_lhs_hint = false} : vector<1000x128xf32>, vector<128x64xf32>, vector<1000x64xf32> -> vector<1000x64xf32>
    %swap3A = arith.constant 0 : index
    %swap3A_42 = arith.constant 0 : index
    %swap3A_43 = vector.load %arg9[%swap3A, %swap3A_42] : memref<1000x64xf32, #tpu.memory_space<vmem>>, vector<1000x64xf32>
    tpu.vector_store %arg9[%swap3A, %swap3A_42], %dot_general3A_41 {strides = array<i32>} : memref<1000x64xf32, #tpu.memory_space<vmem>>, vector<1000x64xf32>,
    %get3A_44 = arith.constant 0 : index
    %get3A_45 = arith.constant 0 : index
    %get3A_46 = vector.load %arg6[%get3A_44, %get3A_45] : memref<128x64xf32, #tpu.memory_space<vmem>>, vector<128x64xf32>
    %dot_general3A_47 = arith.constant dense<0.000000e+00> : vector<1000x64xf32>
    %dot_general3A_48 = tpu.matmul %max3A_36, %get3A_46, %dot_general3A_47 {dimension_numbers = #tpu.dot_dimension_numbers<[1], [0], [0], [1], [0, 0, 1, 1], [], []>, precision = #tpu.contract_precision<fp32>, transpose_lhs_hint = false} : vector<1000x128xf32>, vector<128x64xf32>, vector<1000x64xf32> -> vector<1000x64xf32>
    %get3A_49 = arith.constant 0 : index
    %get3A_50 = arith.constant 0 : index
    %get3A_51 = vector.load %arg8[%get3A_49, %get3A_50] : memref<1x64xf32, #tpu.memory_space<vmem>>, vector<1x64xf32>
    %add3A_52 = vector.broadcast %get3A_51 : vector<1x64xf32> to vector<1000x64xf32>
    %add3A_53 = arith.addf %dot_general3A_48, %add3A_52 : vector<1000x64xf32>
    %swap3A_54 = arith.constant 0 : index
    %swap3A_55 = arith.constant 0 : index
    %swap3A_56 = vector.load %arg10[%swap3A_54, %swap3A_55] : memref<1000x64xf32, #tpu.memory_space<vmem>>, vector<1000x64xf32>
    tpu.vector_store %arg10[%swap3A_54, %swap3A_55], %add3A_53 {strides = array<i32>} : memref<1000x64xf32, #tpu.memory_space<vmem>>, vector<1000x64xf32>,
    return
  }
  func.func @transform_0(%arg0: i32) -> (i32, i32) {
    %c0_i32 = arith.constant 0 : i32
    %c0_i32_0 = arith.constant 0 : i32
    return %arg0, %c0_i32 : i32, i32
  }
  func.func @transform_1(%arg0: i32) -> (i32, i32, i32) {
    %c0_i32 = arith.constant 0 : i32
    %c0_i32_0 = arith.constant 0 : i32
    %c0_i32_1 = arith.constant 0 : i32
    return %c0_i32, %arg0, %c0_i32_0 : i32, i32, i32
  }
  func.func @transform_2(%arg0: i32) -> (i32, i32) {
    %c0_i32 = arith.constant 0 : i32
    %c0_i32_0 = arith.constant 0 : i32
    %c0_i32_1 = arith.constant 0 : i32
    return %c0_i32, %c0_i32_0 : i32, i32
  }
  func.func @transform_3(%arg0: i32) -> (i32, i32) {
    %c0_i32 = arith.constant 0 : i32
    %c0_i32_0 = arith.constant 0 : i32
    %c0_i32_1 = arith.constant 0 : i32
    return %c0_i32, %c0_i32_0 : i32, i32
  }
  func.func @transform_4(%arg0: i32) -> (i32, i32) {
    %c0_i32 = arith.constant 0 : i32
    %c0_i32_0 = arith.constant 0 : i32
    %c0_i32_1 = arith.constant 0 : i32
    return %c0_i32, %c0_i32_0 : i32, i32
  }
  func.func @transform_5(%arg0: i32) -> (i32, i32) {
    %c0_i32 = arith.constant 0 : i32
    %c0_i32_0 = arith.constant 0 : i32
    %c0_i32_1 = arith.constant 0 : i32
    return %c0_i32, %c0_i32_0 : i32, i32
  }
  func.func @transform_6(%arg0: i32) -> (i32, i32) {
    %c0_i32 = arith.constant 0 : i32
    %c0_i32_0 = arith.constant 0 : i32
    %c0_i32_1 = arith.constant 0 : i32
    return %c0_i32, %c0_i32_0 : i32, i32
  }
  func.func @transform_7(%arg0: i32) -> (i32, i32) {
    %c0_i32 = arith.constant 0 : i32
    %c0_i32_0 = arith.constant 0 : i32
    %c0_i32_1 = arith.constant 0 : i32
    return %c0_i32, %c0_i32_0 : i32, i32
  }
  func.func @transform_8(%arg0: i32) -> (i32, i32) {
    %c0_i32 = arith.constant 0 : i32
    %c0_i32_0 = arith.constant 0 : i32
    return %arg0, %c0_i32 : i32, i32
  }
  func.func @transform_9(%arg0: i32) -> (i32, i32) {
    %c0_i32 = arith.constant 0 : i32
    %c0_i32_0 = arith.constant 0 : i32
    return %arg0, %c0_i32 : i32, i32
  }
}

module attributes {stable_mosaic.version = 14 : i64} {
  func.func @_tc_out_body(%arg0: i32, %arg1: memref<2x1000x64xf32, #tpu.memory_space<vmem>>, %arg2: memref<2x1000x80xf32, #tpu.memory_space<vmem>>, %arg3: memref<1000x64xf32, #tpu.memory_space<vmem>>, %arg4: memref<1000x64xf32, #tpu.memory_space<vmem>>) attributes {dimension_semantics = [#tpu.dimension_semantics<arbitrary>], iteration_bounds = array<i64: 10>, scalar_prefetch = 0 : i64, scratch_operands = 0 : i64, tpu.core_type = #tpu.core_type<tc>, window_params = [{transform_indices = @transform_0, window_bounds = array<i64: 2, 1000, 64>}, {transform_indices = @transform_1, window_bounds = array<i64: 2, 1000, 80>}, {transform_indices = @transform_2, window_bounds = array<i64: 1000, 64>}, {transform_indices = @transform_3, window_bounds = array<i64: 1000, 64>}]} {
    %get3A = arith.constant 0 : index
    %get3A_0 = arith.constant 0 : index
    %get3A_1 = arith.constant 0 : index
    %get3A_2 = vector.load %arg1[%get3A, %get3A_0, %get3A_1] : memref<2x1000x64xf32, #tpu.memory_space<vmem>>, vector<1x1000x64xf32>
    %get3A_3 = vector.shape_cast %get3A_2 : vector<1x1000x64xf32> to vector<1000x64xf32>
    %get3A_4 = arith.constant 1 : index
    %get3A_5 = arith.constant 0 : index
    %get3A_6 = arith.constant 0 : index
    %get3A_7 = vector.load %arg1[%get3A_4, %get3A_5, %get3A_6] : memref<2x1000x64xf32, #tpu.memory_space<vmem>>, vector<1x1000x64xf32>
    %get3A_8 = vector.shape_cast %get3A_7 : vector<1x1000x64xf32> to vector<1000x64xf32>
    %add3A = arith.addf %get3A_3, %get3A_8 : vector<1000x64xf32>
    %get3A_9 = arith.constant 0 : index
    %get3A_10 = arith.constant 0 : index
    %get3A_11 = arith.constant 64 : index
    %get3A_12 = vector.load %arg2[%get3A_9, %get3A_10, %get3A_11] : memref<2x1000x80xf32, #tpu.memory_space<vmem>>, vector<1x1000x1xf32>
    %get3A_13 = vector.shape_cast %get3A_12 : vector<1x1000x1xf32> to vector<1000x1xf32>
    %max3A = arith.constant 1.000000e+00 : f32
    %max3A_14 = vector.broadcast %max3A : f32 to vector<1000x1xf32>
    %max3A_15 = arith.maximumf %get3A_13, %max3A_14 : vector<1000x1xf32>
    %get3A_16 = arith.constant 0 : index
    %get3A_17 = arith.constant 0 : index
    %get3A_18 = vector.load %arg3[%get3A_16, %get3A_17] : memref<1000x64xf32, #tpu.memory_space<vmem>>, vector<1000x64xf32>
    %div3A = vector.broadcast %max3A_15 : vector<1000x1xf32> to vector<1000x64xf32>
    %div3A_19 = arith.divf %add3A, %div3A : vector<1000x64xf32>
    %add3A_20 = arith.addf %get3A_18, %div3A_19 : vector<1000x64xf32>
    %swap3A = arith.constant 0 : index
    %swap3A_21 = arith.constant 0 : index
    %swap3A_22 = vector.load %arg4[%swap3A, %swap3A_21] : memref<1000x64xf32, #tpu.memory_space<vmem>>, vector<1000x64xf32>
    tpu.vector_store %arg4[%swap3A, %swap3A_21], %add3A_20 {strides = array<i32>} : memref<1000x64xf32, #tpu.memory_space<vmem>>, vector<1000x64xf32>,
    return
  }
  func.func @transform_0(%arg0: i32) -> (i32, i32, i32) {
    %c0_i32 = arith.constant 0 : i32
    %c0_i32_0 = arith.constant 0 : i32
    %c0_i32_1 = arith.constant 0 : i32
    return %c0_i32, %arg0, %c0_i32_0 : i32, i32, i32
  }
  func.func @transform_1(%arg0: i32) -> (i32, i32, i32) {
    %c0_i32 = arith.constant 0 : i32
    %c0_i32_0 = arith.constant 0 : i32
    %c0_i32_1 = arith.constant 0 : i32
    return %c0_i32, %arg0, %c0_i32_0 : i32, i32, i32
  }
  func.func @transform_2(%arg0: i32) -> (i32, i32) {
    %c0_i32 = arith.constant 0 : i32
    %c0_i32_0 = arith.constant 0 : i32
    return %arg0, %c0_i32 : i32, i32
  }
  func.func @transform_3(%arg0: i32) -> (i32, i32) {
    %c0_i32 = arith.constant 0 : i32
    %c0_i32_0 = arith.constant 0 : i32
    return %arg0, %c0_i32 : i32, i32
  }
}

</mosaic_0001>

<sc_bundles>
// kernel: kernel.6.cloned.1.call-start
scs
__scs_entry_jumppad:
0x0: {  	(pc) =	sbr.rel $0x88, $3  }
0x1: {  	(tag) =	ssettag $0x0;
	lr =	simm.s32 $0x1  }
0x2: {  	[smem:$0x3F99] =	sst lr;
	_ =	strace $0xD0000000  }
0x3: {  	_ = 	snop  }
0x4: {  	_ = 	snop  }
0x5: {  	_ = 	snop  }
0x6: {  	_ = 	snop  }
0x7: {  	_ = 	snop  }
__scs_overlays_trampoline_lowered:
0x8: {  	[smem:$0x3FA8] =	sst s0  }
0x9: {  	[smem:$0x3FA9] =	sst s1  }
0xa: {  	[smem:$0x3FAA] =	sst s2  }
0xb: {  	[smem:$0x3FAB] =	sst s3  }
0xc: {  	[smem:$0x3FAC] =	sst s4  }
0xd: {  	[smem:$0x3FAD] =	sst s5  }
0xe: {  	[smem:$0x3FAE] =	sst s6  }
0xf: {  	[smem:$0x3FAF] =	sst s7  }
0x10: {  	[smem:$0x3FB0] =	sst s8  }
0x11: {  	[smem:$0x3FB1] =	sst s9;
	s0 =	simm.s32 @!p0 $0x0  }
0x12: {  	s1 =	sld [smem:$0x3F97];
	s0 =	simm.s32 @p0 $0x1  }
0x13: {  	[smem:$0x3FB2] =	sst s0;
	s0 =	simm.s32 @!p1 $0x0  }
0x14: {  	s2 =	sld [smem:$0x3F96];
	s0 =	simm.s32 @p1 $0x1  }
0x15: {  	[smem:$0x3FB3] =	sst s0;
	s0 =	simm.s32 @!p2 $0x0  }
0x16: {  	s3 =	sld [smem:$0x3FDB];
	s0 =	simm.s32 @p2 $0x1  }
0x17: {  	s4 =	simm.s32 $0x1BF5;
	[smem:$0x3FB5] =	sst s0  }
0x18: {  	s0 =	sld [smem:$0x3F98];
	_ =	swait.ge [sflag:s4], $0x0  }
0x19: {  	s7 =	sld [smem:$0x3F99]  }
0x1a: {  	s8 =	sadd.s32 $0xFFFFE003, lr  }
0x1b: {  	s9 =	sadd.s32 $0xFFFFFEF7, lr;
	s5 =	simm.s32 $0xFFFFFFFF;
	p2 =	slt.u32 s8, $0xFFFFF086  }
0x1c: {  	p1 =	slt.u32 s9, $0xF7A;
	s5 =	simm.s32 @!p2 $0x0  }
0x1d: {  	s5 =	simm.s32 @p1 $0x1;
	p0 =	seq.s32 s7, s2  }
0x1e: {  	s7 =	smul.u32 @!p0 $0xF7A, s2;
	p2 =	seq.s32 @!p0 s5, $0x0  }
0x1f: {  	s9 =	smul.u32 $0xF7A, s1;
	s8 =	simm.s32 @!p0 $0x1BF5;
	p2 =	por !p2, p0  }
0x20: {  	[sflag:s8] =	ssyncset.s32 @!p0 $0xFFFFF086;
	s6 =	sadd.s32 @!p0 s3, s7;
	s7 =	simm.s32 @!p0 $0x108  }
0x21: {  	s3 =	sadd.s32 s3, s9;
	s6 =	sadd.s32 @!p0 $0x88, s6;
	s7 =	simm.s32 @p2 $0x1082  }
0x22: {  	[simem:s7], [sflag:s8] =	dma.local @!p0 [hbm:s6], $0xF7A  }
0x23: {  	s9 =	sor.u32 $0xD0000000, s2;
	s6 =	simm.s32 $0x108;
	_ =	swait.ge @!p0 [sflag:s8], $0x0  }
0x24: {  	s3 =	sadd.s32 $0x88, s3;
	s6 =	simm.s32 @!p1 $0x1082;
	[sflag:s4] =	ssyncset.s32 $0xFFFFF086  }
0x25: {  	[simem:s6], [sflag:s4] =	dma.local [hbm:s3], $0xF7A  }
0x26: {  	[smem:$0x3F99] =	sst s1;
	(tag) =	ssettag s2;
	_ =	strace s9  }
0x27: {  	s1 =	sld [smem:$0x3FA9]  }
0x28: {  	s2 =	sld [smem:$0x3FAA]  }
0x29: {  	s4 =	sld [smem:$0x3FAC]  }
0x2a: {  	p0 =	seq.s32 s5, $0x0;
	s5 =	sld [smem:$0x3FAD]  }
0x2b: {  	s6 =	sld [smem:$0x3FAE]  }
0x2c: {  	s7 =	sld [smem:$0x3FAF]  }
0x2d: {  	s3 =	simm.s32 $0x108;
	s8 =	sld [smem:$0x3FB0]  }
0x2e: {  	s3 =	simm.s32 @!p0 $0x1082;
	s9 =	sld [smem:$0x3FB1]  }
0x2f: {  	lr =	sadd.s32 s0, s3;
	s0 =	sld [smem:$0x3FA8]  }
0x30: {  	s3 =	sld [smem:$0x3FAB]  }
0x31: {  	[smem:$0x3FB4] =	sst s10  }
0x32: {  	s10 =	sld [smem:$0x3FB2];
	_ =	sdelay $0x3  }
0x33: {  	p0 =	seq.s32 s10, $0x1;
	s10 =	sld [smem:$0x3FB4];
	_ =	sdelay $0x3  }
0x34: {  	[smem:$0x3FB4] =	sst s10  }
0x35: {  	s10 =	sld [smem:$0x3FB3];
	_ =	sdelay $0x3  }
0x36: {  	p1 =	seq.s32 s10, $0x1;
	s10 =	sld [smem:$0x3FB4];
	_ =	sdelay $0x3  }
0x37: {  	[smem:$0x3FB4] =	sst s10  }
0x38: {  	s10 =	sld [smem:$0x3FB5]  }
0x39: {  	_ = 	snop;
	(pc) =	sbr.ind lr, $3  }
0x3a: {  	_ = 	snop  }
0x3b: {  	_ = 	snop  }
0x3c: {  	p2 =	seq.s32 s10, $0x1;
	s10 =	sld [smem:$0x3FB4]  }
0x3d: {  	_ =	shalt  }
0x3e: {  	_ =	shalt  }
0x3f: {  	_ =	shalt  }
0x40: {  	_ =	shalt  }
0x41: {  	_ =	shalt  }
0x42: {  	_ =	shalt  }
0x43: {  	_ =	shalt  }
0x44: {  	_ =	shalt  }
0x45: {  	_ =	shalt  }
0x46: {  	_ =	shalt  }
0x47: {  	_ =	shalt  }
0x48: {  	_ =	shalt  }
0x49: {  	_ =	shalt  }
0x4a: {  	_ =	shalt  }
0x4b: {  	_ =	shalt  }
0x4c: {  	_ =	shalt  }
0x4d: {  	_ =	shalt  }
0x4e: {  	_ =	shalt  }
0x4f: {  	_ =	shalt  }
0x50: {  	_ =	shalt  }
0x51: {  	_ =	shalt  }
0x52: {  	_ =	shalt  }
0x53: {  	_ =	shalt  }
0x54: {  	_ =	shalt  }
0x55: {  	_ =	shalt  }
0x56: {  	_ =	shalt  }
0x57: {  	_ =	shalt  }
0x58: {  	_ =	shalt  }
0x59: {  	_ =	shalt  }
0x5a: {  	_ =	shalt  }
0x5b: {  	_ =	shalt  }
0x5c: {  	_ =	shalt  }
0x5d: {  	_ =	shalt  }
0x5e: {  	_ =	shalt  }
0x5f: {  	_ =	shalt  }
0x60: {  	_ =	shalt  }
0x61: {  	_ =	shalt  }
0x62: {  	_ =	shalt  }
0x63: {  	_ =	shalt  }
0x64: {  	_ =	shalt  }
0x65: {  	_ =	shalt  }
0x66: {  	_ =	shalt  }
0x67: {  	_ =	shalt  }
0x68: {  	_ =	shalt  }
0x69: {  	_ =	shalt  }
0x6a: {  	_ =	shalt  }
0x6b: {  	_ =	shalt  }
0x6c: {  	_ =	shalt  }
0x6d: {  	_ =	shalt  }
0x6e: {  	_ =	shalt  }
0x6f: {  	_ =	shalt  }
0x70: {  	_ =	shalt  }
0x71: {  	_ =	shalt  }
0x72: {  	_ =	shalt  }
0x73: {  	_ =	shalt  }
0x74: {  	_ =	shalt  }
0x75: {  	_ =	shalt  }
0x76: {  	_ =	shalt  }
0x77: {  	_ =	shalt  }
0x78: {  	_ =	shalt  }
0x79: {  	_ =	shalt  }
0x7a: {  	_ =	shalt  }
0x7b: {  	_ =	shalt  }
0x7c: {  	_ =	shalt  }
0x7d: {  	_ =	shalt  }
0x7e: {  	_ =	shalt  }
0x7f: {  	_ =	shalt  }
0x80: {  	_ =	shalt  }
0x81: {  	_ =	shalt  }
0x82: {  	_ =	shalt  }
0x83: {  	_ =	shalt  }
0x84: {  	_ =	shalt  }
0x85: {  	_ =	shalt  }
0x86: {  	_ =	shalt  }
0x87: {  	_ =	shalt  }
.Lfunc_end0:
.L_simem_size_0:
called_computation_lowered:
.L_overlay_start_0:
0x88: {  	s2 =	sld [smem:$0x3FD9]  }
0x89: {  	s3 =	sld [smem:$0x3FFE];
	_ =	sdelay $0x1  }
0x8a: {  	s1 =	srdreg.scid  }
0x8b: {  	s0 =	sand.u32 $0x1, s1  }
0x8c: {  	s17 =	sshll.u32 s0, $0xA;
	s2 =	sadd.s32 s3, s2  }
0x8d: {  	s2 =	sadd.s32 s2, s17  }
0x8e: {  	[smem:$0x3FC0] =	sst s2  }
0x8f: {  	_ = 	snop  }
0x90: {  	s2 =	sld [smem:$0x3FD0];
	(tm) =	ssettm $0x1  }
0x91: {  	s18 =	sld [smem:$0x3FFB];
	_ =	sdelay $0x3  }
0x92: {  	_ =	strace s18  }
0x93: {  	s3 =	sld [smem:$0x3FFC];
	_ =	sdelay $0x3  }
0x94: {  	_ =	strace s3  }
0x95: {  	s3 =	sld [smem:$0x3FFD];
	_ =	sdelay $0x3  }
0x96: {  	_ =	strace s3  }
0x97: {  	_ =	strace $0x8FFFFFFF  }
0x98: {  	s19 =	sld [smem:$0x3FDB];
	_ =	sdelay $0x1  }
0x99: {  	s4 =	simm.s32 $_scs_section_size  }
0x9a: {  	s5 =	simm.s32 $_size__tile_overlayer_lowered;
	s6 =	simm.s32 $_tile_overlayer_lowered  }
0x9b: {  	s22 =	simm.s32 $0x1BFF;
	s21 =	sshll.u32 s6, $0x1;
	s3 =	sadd.s32 s4, s19  }
0x9c: {  	s7 =	simm.s32 $0x0;
	s20 =	sshll.u32 s5, $0x1;
	s5 =	sadd.s32 s21, s3  }
0x9d: {  	[timem:s7], [sflag:s22] =	dma.local [hbm:s5], s20  }
0x9e: {  	_ =	swait.ge [sflag:s22], s20  }
0x9f: {  	s4 =	ssub.s32 $0x0, s20;
	[sflag:s22] =	ssyncset.done $0x0  }
0xa0: {  	[sflag:s22] =	ssyncadd.s32 s4;
	_ =	sdelay $0x1  }
0xa1: {  	s23 =	simm.s32 $0x1B8B  }
0xa2: {  	_ =	swait.ge [sflag:s23], $0x1  }
0xa3: {  	[sflag:s23] =	ssyncset.done $0x0  }
0xa4: {  	s25 =	simm.s32 $0x1B8E;
	s24 =	sld [smem:$0x3FFE];
	[sflag:s23] =	ssyncadd.s32 $0xFFFFFFFF  }
0xa5: {  	s26 =	simm.s32 $execute0_lowered;
	[smem:$0x3FD2] =	sst s25  }
0xa6: {  	s5 =	sshll.u32 s26, $0x1;
	_ =	strace $0x80000046;
	[dreg:$0x1] =	wrdreg $0xFFFFFFFF  }
0xa7: {  	s28 =	simm.s32 $_size_execute0_lowered;
	s3 =	sadd.s32 s3, s5;
	[dreg:$0x0] =	wrdreg $0x0  }
0xa8: {  	s5 =	sshll.u32 s28, $0x1;
	[dreg:$0x2] =	wrdreg s3  }
0xa9: {  	[dreg:$0x3] =	wrdreg s5  }
0xaa: {  	[dreg:$0x4] =	wrdreg $0xC0  }
0xab: {  	_ =	task [dreg:s7], $0x5FFFF  }
0xac: {  	[dreg:$0x1] =	wrdreg $0xFFFFFFFF  }
0xad: {  	[dreg:$0x0] =	wrdreg $0x60  }
0xae: {  	[dreg:$0x2] =	wrdreg s24  }
0xaf: {  	[dreg:$0x3] =	wrdreg s2  }
0xb0: {  	[dreg:$0x4] =	wrdreg $0x48000  }
0xb1: {  	[dreg:$0x5] =	wrdreg $0x110000  }
0xb2: {  	[dreg:$0x6] =	wrdreg $0x9  }
0xb3: {  	_ =	task.clear_ibuf [dreg:s7], $0x7FFFF;
	_ =	strace $0x90000046  }
0xb4: {  	s29 =	simm.s32 $0x9;
	_ =	strace $0x80000048  }
0xb5: {  	_ =	swait.ge [sflag:s29], $0x1  }
0xb6: {  	[sflag:s29] =	ssyncadd.s32 $0xFFFFFFFF  }
0xb7: {  	_ =	strace $0x90000048  }
0xb8: {  	_ =	sfence  }
0xb9: {  	s30 =	sld [smem:$0x0];
	_ =	sdelay $0x2  }
0xba: {  	s31 =	sshll.u32 s1, $0xD;
	s1 =	sshrl.u32 s1, $0x2  }
0xbb: {  	s3 =	sand.u32 $0x4000, s31;
	s1 =	sadd.s32 s1, s30  }
0xbc: {  	s0 =	sor.u32 s3, s0;
	s1 =	sshll.u32 s1, $0x11  }
0xbd: {  	s0 =	sor.u32 s1, s0  }
0xbe: {  	s0 =	sadd.s32 $0x8F2B, s0  }
0xbf: {  	[sflag:s0] =	ssyncadd.remote.s32 $0x1  }
0xc0: {  	_ =	sfence.sel $0xFFFF  }
0xc1: {  	[dreg:$0x0] =	wrdreg $0xFFFFFFFF;
	(pc) =	sbr.abs _section_cstart, $3  }
0xc2: {  	[dreg:$0x1] =	wrdreg $0xFFFFFFFF  }
0xc3: {  	_ =	task.clear_ibuf [dreg:s7], $0x2FFFF;
	_ =	strace $0x9FFFFFFF  }
0xc4: {  	(tm) =	ssettm $0x7FFFFFFF  }
0xc5: {  	_ =	shalt  }
tec
execute0_lowered:
.L_overlay_start_1:
0x0: {  	(tag) =	ssettag $0x1  }
0x1: {  	s0 =	rddreg [dreg:$0x0]  }
0x2: {  	s1 =	rddreg [dreg:$0x1]  }
0x3: {  	s2 =	rddreg [dreg:$0x2];
	s11 =	stileid.u32  }
0x4: {  	s3 =	rddreg [dreg:$0x3];
	s7 =	smul.u32 $0xA00, s11  }
0x5: {  	s4 =	simm.s32 $0x0;
	s5 =	srdreg.scid;
	s19 =	smul.u32 $0x280, s11  }
0x6: {  	[smem:$0x7FF] =	sst s4;
	s5 =	sand.u32 $0x1, s5;
	s10 =	smul.u32 $0xC800, s11  }
0x7: {  	s9 =	sadd.s32 $0x3D400, s0;
	s20 =	smul.u32 $0x32000, s11;
	s11 =	simm.s32 $0x1  }
0x8: {  	_ =	strace $0x80000047;
	s6 =	smul.u32 $0x19000, s5;
	s5 =	ssub.s32 $0x2, s5  }
0x9: {  	[dreg:$0x5] =	wrdreg s9;
	s8 =	sadd.s32 s7, s0;
	s18 =	sshrl.u32 s5, $0x1  }
0xa: {  	s7 =	sadd.s32 s1, s7;
	s21 =	sadd.s32 $0x80, s19;
	s12 =	sadd.s32 s10, s2  }
0xb: {  	s23 =	sshrl.u32 s20, $0x2;
	s24 =	sadd.s32 $0x14000, s20;
	s26 =	sadd.s32 $0x1E000, s20  }
0xc: {  	s1 =	sadd.s32 $0x28000, s20;
	s17 =	sshrl.u32 s10, $0x3;
	s15 =	sadd.s32 s10, s3  }
0xd: {  	s16 =	sadd.s32 $0x5000, s10;
	s0 =	sadd.s32 s6, s0;
	s5 =	ssub.s32 s5, s18  }
0xe: {  	s8 =	sadd.s32 $0x33400, s8;
	s22 =	smul.u32 $0x140, s21;
	[dreg:$0x6] =	wrdreg s12  }
0xf: {  	s25 =	sshrl.u32 s24, $0x2;
	s12 =	sshrl.u32 s26, $0x2;
	s13 =	sshrl.u32 s1, $0x2  }
0x10: {  	s14 =	smul.u32 $0x50, s21;
	[dreg:$0xd] =	wrdreg s15;
	s21 =	sshrl.u32 s16, $0x3  }
0x11: {  	s18 =	sadd.s32 $0x7800, s10;
	s10 =	sadd.s32 $0xA000, s10;
	s24 =	sadd.s32 s16, s2  }
0x12: {  	s1 =	simm.s32 $0x2;
	s6 =	sadd.s32 $0x1400, s0;
	s9 =	sadd.s32 $0x3DA00, s0  }
0x13: {  	s5 =	smax.u32 s5, $0x1;
	s26 =	sadd.s32 s18, s3;
	s28 =	sadd.s32 s18, s2  }
0x14: {  	s29 =	sshrl.u32 s10, $0x3;
	s30 =	sadd.s32 s10, s3;
	s31 =	sadd.s32 s10, s2  }
0x15: {  	s10 =	simm.s32 $0x80;
	[dreg:$0x7] =	wrdreg s5;
	s5 =	sadd.s32 s23, s2  }
0x16: {  	s0 =	sshrl.u32 s22, $0x2;
	s19 =	sshrl.u32 s14, $0x3;
	s20 =	sadd.s32 s14, s3  }
0x17: {  	s22 =	sadd.s32 s14, s2;
	[dreg:$0x8] =	wrdreg s5;
	s0 =	sadd.s32 s0, s2  }
0x18: {  	s23 =	sadd.s32 s16, s3;
	[dreg:$0x9] =	wrdreg s0;
	s0 =	sadd.s32 s25, s2  }
0x19: {  	s5 =	simm.s32 $0x1000;
	[dreg:$0xa] =	wrdreg s0;
	s0 =	sadd.s32 s12, s2  }
0x1a: {  	s25 =	sshrl.u32 s18, $0x3;
	[dreg:$0xb] =	wrdreg s0;
	s0 =	sadd.s32 s13, s2  }
0x1b: {  	s12 =	simm.s32 $0x0;
	[dreg:$0xc] =	wrdreg s0;
	s0 =	simm.s32 $0x2000  }
.LBB2_1:
0x1c: {  	s13 =	rddreg [dreg:$0x5]  }
0x1d: {  	[tilespmem:s0], [sflag:$0x2] =	stream.linear.gather [hbm4b:s13+s4], $0x2800, $0x38;
	[tilespmem:$0x1D800] =	vst v63  }
0x1e: {  	_ =	swait.ge [sflag:s1], $0x2800  }
0x1f: {  	[sflag:s1] =	ssyncset.done $0x0  }
0x20: {  	s15 =	rddreg [dreg:$0x8];
	[sflag:s1] =	ssyncadd.s32 $0xFFFFD800  }
0x21: {  	[spmem:s15] =	stream.linear.scatter [tilespmem:s0], [sflag:$0x2], $0x2800, $0x38;
	[tilespmem:$0x1D800] =	vst v63  }
0x22: {  	_ =	swait.ge [sflag:s1], $0x2800  }
0x23: {  	[sflag:s1] =	ssyncset.done $0x0  }
0x24: {  	s16 =	rddreg [dreg:$0x9];
	[sflag:s1] =	ssyncadd.s32 $0xFFFFD800  }
0x25: {  	[spmem:s16] =	stream.linear.scatter [tilespmem:s0], [sflag:$0x2], $0x2800, $0x38;
	[tilespmem:$0x1D800] =	vst v63  }
0x26: {  	_ =	swait.ge [sflag:s1], $0x2800  }
0x27: {  	[sflag:s1] =	ssyncset.done $0x0  }
0x28: {  	s18 =	rddreg [dreg:$0xa];
	[sflag:s1] =	ssyncadd.s32 $0xFFFFD800  }
0x29: {  	[spmem:s18] =	stream.linear.scatter [tilespmem:s0], [sflag:$0x2], $0x2800, $0x38;
	[tilespmem:$0x1D800] =	vst v63  }
0x2a: {  	_ =	swait.ge [sflag:s1], $0x2800  }
0x2b: {  	[sflag:s1] =	ssyncset.done $0x0  }
0x2c: {  	s14 =	rddreg [dreg:$0xb];
	[sflag:s1] =	ssyncadd.s32 $0xFFFFD800  }
0x2d: {  	[spmem:s14] =	stream.linear.scatter [tilespmem:s0], [sflag:$0x2], $0x2800, $0x38;
	[tilespmem:$0x1D800] =	vst v63  }
0x2e: {  	_ =	swait.ge [sflag:s1], $0x2800  }
0x2f: {  	[sflag:s1] =	ssyncset.done $0x0  }
0x30: {  	s15 =	rddreg [dreg:$0xc];
	[sflag:s1] =	ssyncadd.s32 $0xFFFFD800  }
0x31: {  	[spmem:s15] =	stream.linear.scatter [tilespmem:s0], [sflag:$0x2], $0x2800, $0x38;
	[tilespmem:$0x1D800] =	vst v63  }
0x32: {  	_ =	swait.ge [sflag:s1], $0x2800  }
0x33: {  	[sflag:s1] =	ssyncset.done $0x0  }
0x34: {  	s16 =	sadd.s32 s17, s6;
	[sflag:s1] =	ssyncadd.s32 $0xFFFFD800  }
0x35: {  	[tilespmem:s0], [sflag:$0x2] =	stream.linear.gather [hbm4b:s16+s4], $0x2800, $0x38;
	[tilespmem:$0x1D800] =	vst v63  }
0x36: {  	_ =	swait.ge [sflag:s1], $0x2800  }
0x37: {  	[sflag:s1] =	ssyncset.done $0x0  }
0x38: {  	s18 =	rddreg [dreg:$0xd];
	[sflag:s1] =	ssyncadd.s32 $0xFFFFD800  }
0x39: {  	[spmem:s18] =	stream.linear.scatter [tilespmem:s0], [sflag:$0x2], $0x2800, $0x38;
	[tilespmem:$0x1D800] =	vst v63  }
0x3a: {  	_ =	swait.ge [sflag:s1], $0x2800  }
0x3b: {  	[sflag:s1] =	ssyncset.done $0x0  }
0x3c: {  	s14 =	sadd.s32 s19, s6;
	[sflag:s1] =	ssyncadd.s32 $0xFFFFD800  }
0x3d: {  	[tilespmem:s0], [sflag:$0x2] =	stream.linear.gather [hbm4b:s14+s4], $0x2800, $0x38;
	[tilespmem:$0x1D800] =	vst v63  }
0x3e: {  	_ =	swait.ge [sflag:s1], $0x2800  }
0x3f: {  	[sflag:s1] =	ssyncset.done $0x0  }
0x40: {  	[sflag:s1] =	ssyncadd.s32 $0xFFFFD800  }
0x41: {  	[spmem:s20] =	stream.linear.scatter [tilespmem:s0], [sflag:$0x2], $0x2800, $0x38;
	[tilespmem:$0x1D800] =	vst v63  }
0x42: {  	_ =	swait.ge [sflag:s1], $0x2800  }
0x43: {  	[sflag:s1] =	ssyncset.done $0x0  }
0x44: {  	s15 =	sadd.s32 s21, s6;
	[sflag:s1] =	ssyncadd.s32 $0xFFFFD800  }
0x45: {  	[tilespmem:s0], [sflag:$0x2] =	stream.linear.gather [hbm4b:s15+s4], $0x2800, $0x38;
	[tilespmem:$0x1D800] =	vst v63  }
0x46: {  	_ =	swait.ge [sflag:s1], $0x2800  }
0x47: {  	[sflag:s1] =	ssyncset.done $0x0  }
0x48: {  	[sflag:s1] =	ssyncadd.s32 $0xFFFFD800  }
0x49: {  	[spmem:s23] =	stream.linear.scatter [tilespmem:s0], [sflag:$0x2], $0x2800, $0x38;
	[tilespmem:$0x1D800] =	vst v63  }
0x4a: {  	_ =	swait.ge [sflag:s1], $0x2800  }
0x4b: {  	[sflag:s1] =	ssyncset.done $0x0  }
0x4c: {  	s16 =	sadd.s32 s25, s6;
	[sflag:s1] =	ssyncadd.s32 $0xFFFFD800  }
0x4d: {  	[tilespmem:s0], [sflag:$0x2] =	stream.linear.gather [hbm4b:s16+s4], $0x2800, $0x38;
	[tilespmem:$0x1D800] =	vst v63  }
0x4e: {  	_ =	swait.ge [sflag:s1], $0x2800  }
0x4f: {  	[sflag:s1] =	ssyncset.done $0x0  }
0x50: {  	[sflag:s1] =	ssyncadd.s32 $0xFFFFD800  }
0x51: {  	[spmem:s26] =	stream.linear.scatter [tilespmem:s0], [sflag:$0x2], $0x2800, $0x38;
	[tilespmem:$0x1D800] =	vst v63  }
0x52: {  	_ =	swait.ge [sflag:s1], $0x2800  }
0x53: {  	[sflag:s1] =	ssyncset.done $0x0  }
0x54: {  	s18 =	sadd.s32 s29, s6;
	[sflag:s1] =	ssyncadd.s32 $0xFFFFD800  }
0x55: {  	[tilespmem:s0], [sflag:$0x2] =	stream.linear.gather [hbm4b:s18+s4], $0x2800, $0x38;
	[tilespmem:$0x1D800] =	vst v63  }
0x56: {  	_ =	swait.ge [sflag:s1], $0x2800  }
0x57: {  	[sflag:s1] =	ssyncset.done $0x0  }
0x58: {  	[sflag:s1] =	ssyncadd.s32 $0xFFFFD800  }
0x59: {  	[spmem:s30] =	stream.linear.scatter [tilespmem:s0], [sflag:$0x2], $0x2800, $0x38;
	[tilespmem:$0x1D800] =	vst v63  }
0x5a: {  	_ =	swait.ge [sflag:s1], $0x2800  }
0x5b: {  	[sflag:s1] =	ssyncset.done $0x0  }
0x5c: {  	[sflag:s1] =	ssyncadd.s32 $0xFFFFD800  }
0x5d: {  	s13 =	simm.s32 $0x0;
	[bflag:$0x0] =	sbarrier.arrive $0xFFFF  }
.LBB2_2:
0x5e: {  	s14 =	sshll.u32 s13, $0x9  }
0x5f: {  	s16 =	simm.s32 $0x0;
	s15 =	sadd.s32 s14, s7  }
0x60: {  	[tilespmem:s16], [sflag:$0x2] =	stream.linear.gather [hbm4b:s15+s16], $0x1000, $0x38;
	[tilespmem:$0x1D800] =	vst v63  }
0x61: {  	_ =	swait.ge [sflag:s1], $0x1000  }
0x62: {  	[sflag:s1] =	ssyncset.done $0x0  }
0x63: {  	s14 =	sadd.s32 s14, s8;
	[sflag:s1] =	ssyncadd.s32 $0xFFFFF000  }
0x64: {  	[tilespmem:s5], [sflag:$0x2] =	stream.linear.gather [hbm4b:s14+s16], $0x1000, $0x38;
	[tilespmem:$0x1D800] =	vst v63  }
0x65: {  	_ =	swait.ge [sflag:s1], $0x1000  }
0x66: {  	[sflag:s1] =	ssyncset.done $0x0  }
0x67: {  	s16 =	simm.s32 $0x0;
	[sflag:s1] =	ssyncadd.s32 $0xFFFFF000  }
0x68: {  	[tilespmem:s0], [sflag:$0x1] =	stream.indirect.gather [spmem:s3], $0x50, s16, s10, $0xb8;
	[tilespmem:$0x1D800] =	vst v63  }
0x69: {  	_ =	swait.ge [sflag:s11], $0x2800  }
0x6a: {  	[sflag:s11] =	ssyncset.done $0x0  }
0x6b: {  	s18 =	simm.s32 $0x1000;
	[sflag:s11] =	ssyncadd.s32 $0xFFFFD800  }
0x6c: {  	[spmem:s2] =	stream.indirect.scatter.add.f32 [tilespmem:s0], [sflag:$0x2], $0x50, s18, s10, $0xb8;
	[tilespmem:$0x1D800] =	vst v63  }
0x6d: {  	_ =	swait.ge [sflag:s1], $0x2800  }
0x6e: {  	s15 =	simm.s32 $0x400;
	s14 =	simm.s32 $0x200;
	[sflag:s1] =	ssyncset.done $0x0  }
.LBB2_3:
0x6f: {  	s16 =	sshra.s32 s14, $0x2  }
0x70: {  	[sflag:s1] =	ssyncadd.s32 $0xFFFFD800;
	s14 =	smov.u32 s15;
	s18 =	sadd.s32 $0x200, s15  }
0x71: {  	[tilespmem:s0], [sflag:$0x1] =	stream.indirect.gather [spmem:s3], $0x50, s16, s10, $0xb8;
	[tilespmem:$0x1D800] =	vst v63  }
0x72: {  	p0 =	sne.s32 s15, $0x3E00;
	_ =	swait.ge [sflag:s11], $0x2800  }
.Ltmp0:
0x73: {  	[sflag:s11] =	ssyncset.done $0x0;
	(pc) =	sbr.rel @p0 .LBB2_3-.Ltmp0, $4  }
0x74: {  	s15 =	sadd.s32 $0x1000, s16;
	[sflag:s11] =	ssyncadd.s32 $0xFFFFD800  }
0x75: {  	[spmem:s2] =	stream.indirect.scatter.add.f32 [tilespmem:s0], [sflag:$0x2], $0x50, s15, s10, $0xb8;
	[tilespmem:$0x1D800] =	vst v63  }
0x76: {  	_ =	swait.ge [sflag:s1], $0x2800  }
0x77: {  	s15 =	smov.u32 s18;
	[sflag:s1] =	ssyncset.done $0x0  }
0x78: {  	s14 =	sshra.s32 s14, $0x2;
	[sflag:s1] =	ssyncadd.s32 $0xFFFFD800  }
0x79: {  	[tilespmem:s0], [sflag:$0x1] =	stream.indirect.gather [spmem:s3], $0x50, s14, s10, $0xb8;
	[tilespmem:$0x1D800] =	vst v63  }
0x7a: {  	s13 =	sadd.s32 $0x1, s13;
	_ =	swait.ge [sflag:s11], $0x2800  }
0x7b: {  	p0 =	sne.s32 s13, $0x5;
	[sflag:s11] =	ssyncset.done $0x0  }
.Ltmp1:
0x7c: {  	s14 =	sadd.s32 $0x1000, s14;
	[sflag:s11] =	ssyncadd.s32 $0xFFFFD800;
	(pc) =	sbr.rel @p0 .LBB2_2-.Ltmp1, $4  }
0x7d: {  	[spmem:s2] =	stream.indirect.scatter.add.f32 [tilespmem:s0], [sflag:$0x2], $0x50, s14, s10, $0xb8;
	[tilespmem:$0x1D800] =	vst v63  }
0x7e: {  	_ =	swait.ge [sflag:s1], $0x2800  }
0x7f: {  	[sflag:s1] =	ssyncset.done $0x0  }
0x80: {  	[sflag:s1] =	ssyncadd.s32 $0xFFFFD800  }
0x81: {  	[bflag:$0x0] =	sbarrier.arrive $0xFFFF  }
0x82: {  	s13 =	rddreg [dreg:$0x6]  }
0x83: {  	[tilespmem:s0], [sflag:$0x2] =	stream.linear.gather [spmem:s13], $0x2800, $0x38;
	[tilespmem:$0x1D800] =	vst v63  }
0x84: {  	_ =	swait.ge [sflag:s1], $0x2800  }
0x85: {  	[sflag:s1] =	ssyncset.done $0x0  }
0x86: {  	s16 =	sadd.s32 s17, s9;
	[sflag:s1] =	ssyncadd.s32 $0xFFFFD800  }
0x87: {  	[hbm4b:s16+s4] =	stream.linear.scatter [tilespmem:s0], [sflag:$0x2], $0x2800, $0x38;
	[tilespmem:$0x1D800] =	vst v63  }
0x88: {  	_ =	swait.ge [sflag:s1], $0x2800  }
0x89: {  	[sflag:s1] =	ssyncset.done $0x0  }
0x8a: {  	[sflag:s1] =	ssyncadd.s32 $0xFFFFD800  }
0x8b: {  	[tilespmem:s0], [sflag:$0x2] =	stream.linear.gather [spmem:s22], $0x2800, $0x38;
	[tilespmem:$0x1D800] =	vst v63  }
0x8c: {  	_ =	swait.ge [sflag:s1], $0x2800  }
0x8d: {  	[sflag:s1] =	ssyncset.done $0x0  }
0x8e: {  	s18 =	sadd.s32 s19, s9;
	[sflag:s1] =	ssyncadd.s32 $0xFFFFD800  }
0x8f: {  	[hbm4b:s18+s4] =	stream.linear.scatter [tilespmem:s0], [sflag:$0x2], $0x2800, $0x38;
	[tilespmem:$0x1D800] =	vst v63  }
0x90: {  	_ =	swait.ge [sflag:s1], $0x2800  }
0x91: {  	[sflag:s1] =	ssyncset.done $0x0  }
0x92: {  	[sflag:s1] =	ssyncadd.s32 $0xFFFFD800  }
0x93: {  	[tilespmem:s0], [sflag:$0x2] =	stream.linear.gather [spmem:s24], $0x2800, $0x38;
	[tilespmem:$0x1D800] =	vst v63  }
0x94: {  	_ =	swait.ge [sflag:s1], $0x2800  }
0x95: {  	[sflag:s1] =	ssyncset.done $0x0  }
0x96: {  	s14 =	sadd.s32 s21, s9;
	[sflag:s1] =	ssyncadd.s32 $0xFFFFD800  }
0x97: {  	[hbm4b:s14+s4] =	stream.linear.scatter [tilespmem:s0], [sflag:$0x2], $0x2800, $0x38;
	[tilespmem:$0x1D800] =	vst v63  }
0x98: {  	_ =	swait.ge [sflag:s1], $0x2800  }
0x99: {  	[sflag:s1] =	ssyncset.done $0x0  }
0x9a: {  	[sflag:s1] =	ssyncadd.s32 $0xFFFFD800  }
0x9b: {  	[tilespmem:s0], [sflag:$0x2] =	stream.linear.gather [spmem:s28], $0x2800, $0x38;
	[tilespmem:$0x1D800] =	vst v63  }
0x9c: {  	_ =	swait.ge [sflag:s1], $0x2800  }
0x9d: {  	[sflag:s1] =	ssyncset.done $0x0  }
0x9e: {  	s15 =	sadd.s32 s25, s9;
	[sflag:s1] =	ssyncadd.s32 $0xFFFFD800  }
0x9f: {  	[hbm4b:s15+s4] =	stream.linear.scatter [tilespmem:s0], [sflag:$0x2], $0x2800, $0x38;
	[tilespmem:$0x1D800] =	vst v63  }
0xa0: {  	_ =	swait.ge [sflag:s1], $0x2800  }
0xa1: {  	[sflag:s1] =	ssyncset.done $0x0  }
0xa2: {  	[sflag:s1] =	ssyncadd.s32 $0xFFFFD800  }
0xa3: {  	[tilespmem:s0], [sflag:$0x2] =	stream.linear.gather [spmem:s31], $0x2800, $0x38;
	[tilespmem:$0x1D800] =	vst v63  }
0xa4: {  	_ =	swait.ge [sflag:s1], $0x2800  }
0xa5: {  	[sflag:s1] =	ssyncset.done $0x0  }
0xa6: {  	s16 =	sadd.s32 s29, s9;
	[sflag:s1] =	ssyncadd.s32 $0xFFFFD800  }
0xa7: {  	[hbm4b:s16+s4] =	stream.linear.scatter [tilespmem:s0], [sflag:$0x2], $0x2800, $0x38;
	[tilespmem:$0x1D800] =	vst v63  }
0xa8: {  	_ =	swait.ge [sflag:s1], $0x2800  }
0xa9: {  	s12 =	sadd.s32 $0x1, s12;
	s18 =	rddreg [dreg:$0x7]  }
0xaa: {  	p0 =	sne.s32 s12, s18  }
.Ltmp2:
0xab: {  	_ = 	snop;
	(pc) =	sbr.rel @p0 .LBB2_1-.Ltmp2, $3  }
0xac: {  	_ =	sdelay $0x1  }
0xad: {  	[sflag:s1] =	ssyncset.done $0x0  }
0xae: {  	[sflag:s1] =	ssyncadd.s32 $0xFFFFD800  }
0xaf: {  	_ =	sfence.sel $0x180000  }
0xb0: {  	[bflag:$0x0] =	sbarrier.arrive $0xFFFF  }
0xb1: {  	_ =	strace $0x90000047  }
0xb2: {  	s0 =	stileid.u32;
	[bflag:$0x2] =	sbarrier.arrive $0xFFFF  }
0xb3: {  	p0 =	sne.s32 s0, $0x0;
	s0 =	rddreg [dreg:$0x4]  }
0xb4: {  	s0 =	sadd.s32 @!p0 $0x100000, s0  }
0xb5: {  	[sflag:s0] =	ssyncadd.tile.s32 @!p0 $0x1;
	_ =	shalt  }
.Lfunc_end2:
_tile_overlayer_lowered:
.L_overlay_start_2:
0xb6: {  	(tag) =	ssettag $0x2  }
0xb7: {  	s0 =	rddreg [dreg:$0x0];
	s2 =	stileid.u32  }
0xb8: {  	s1 =	rddreg [dreg:$0x1];
	p0 =	sne.s32 s2, $0x0  }
0xb9: {  	s3 =	rddreg [dreg:$0x2];
	[bflag:$0x3] =	sbarrier.arrive $0xFFFF;
	s2 =	simm.s32 @!p0 $0x1C02  }
0xba: {  	[timem:s3], [sflag:s2] =	dma.local @!p0 [hbm:s0], s1  }
0xbb: {  	s0 =	simm.s32 @!p0 $0x2  }
0xbc: {  	_ =	swait.ge @!p0 [sflag:s0], s1  }
0xbd: {  	s1 =	ssub.s32 @!p0 $0x0, s1;
	[sflag:s0] =	ssyncset.done @!p0 $0x0  }
0xbe: {  	[sflag:s0] =	ssyncadd.s32 @!p0 s1  }
0xbf: {  	[bflag:$0x3] =	sbarrier.arrive $0xFFFF  }
0xc0: {  	_ =	shalt  }

// kernel: kernel.9.cloned.1.call-start
scs
__scs_entry_jumppad:
0x0: {  	(pc) =	sbr.rel $0x88, $3  }
0x1: {  	(tag) =	ssettag $0x0;
	lr =	simm.s32 $0x1  }
0x2: {  	[smem:$0x3F99] =	sst lr;
	_ =	strace $0xD0000000  }
0x3: {  	_ = 	snop  }
0x4: {  	_ = 	snop  }
0x5: {  	_ = 	snop  }
0x6: {  	_ = 	snop  }
0x7: {  	_ = 	snop  }
__scs_overlays_trampoline_lowered:
0x8: {  	[smem:$0x3FA8] =	sst s0  }
0x9: {  	[smem:$0x3FA9] =	sst s1  }
0xa: {  	[smem:$0x3FAA] =	sst s2  }
0xb: {  	[smem:$0x3FAB] =	sst s3  }
0xc: {  	[smem:$0x3FAC] =	sst s4  }
0xd: {  	[smem:$0x3FAD] =	sst s5  }
0xe: {  	[smem:$0x3FAE] =	sst s6  }
0xf: {  	[smem:$0x3FAF] =	sst s7  }
0x10: {  	[smem:$0x3FB0] =	sst s8  }
0x11: {  	[smem:$0x3FB1] =	sst s9;
	s0 =	simm.s32 @!p0 $0x0  }
0x12: {  	s1 =	sld [smem:$0x3F97];
	s0 =	simm.s32 @p0 $0x1  }
0x13: {  	[smem:$0x3FB2] =	sst s0;
	s0 =	simm.s32 @!p1 $0x0  }
0x14: {  	s2 =	sld [smem:$0x3F96];
	s0 =	simm.s32 @p1 $0x1  }
0x15: {  	[smem:$0x3FB3] =	sst s0;
	s0 =	simm.s32 @!p2 $0x0  }
0x16: {  	s3 =	sld [smem:$0x3FDB];
	s0 =	simm.s32 @p2 $0x1  }
0x17: {  	s4 =	simm.s32 $0x1BF5;
	[smem:$0x3FB5] =	sst s0  }
0x18: {  	s0 =	sld [smem:$0x3F98];
	_ =	swait.ge [sflag:s4], $0x0  }
0x19: {  	s7 =	sld [smem:$0x3F99]  }
0x1a: {  	s8 =	sadd.s32 $0xFFFFE003, lr  }
0x1b: {  	s9 =	sadd.s32 $0xFFFFFEF7, lr;
	s5 =	simm.s32 $0xFFFFFFFF;
	p2 =	slt.u32 s8, $0xFFFFF086  }
0x1c: {  	p1 =	slt.u32 s9, $0xF7A;
	s5 =	simm.s32 @!p2 $0x0  }
0x1d: {  	s5 =	simm.s32 @p1 $0x1;
	p0 =	seq.s32 s7, s2  }
0x1e: {  	s7 =	smul.u32 @!p0 $0xF7A, s2;
	p2 =	seq.s32 @!p0 s5, $0x0  }
0x1f: {  	s9 =	smul.u32 $0xF7A, s1;
	s8 =	simm.s32 @!p0 $0x1BF5;
	p2 =	por !p2, p0  }
0x20: {  	[sflag:s8] =	ssyncset.s32 @!p0 $0xFFFFF086;
	s6 =	sadd.s32 @!p0 s3, s7;
	s7 =	simm.s32 @!p0 $0x108  }
0x21: {  	s3 =	sadd.s32 s3, s9;
	s6 =	sadd.s32 @!p0 $0x88, s6;
	s7 =	simm.s32 @p2 $0x1082  }
0x22: {  	[simem:s7], [sflag:s8] =	dma.local @!p0 [hbm:s6], $0xF7A  }
0x23: {  	s9 =	sor.u32 $0xD0000000, s2;
	s6 =	simm.s32 $0x108;
	_ =	swait.ge @!p0 [sflag:s8], $0x0  }
0x24: {  	s3 =	sadd.s32 $0x88, s3;
	s6 =	simm.s32 @!p1 $0x1082;
	[sflag:s4] =	ssyncset.s32 $0xFFFFF086  }
0x25: {  	[simem:s6], [sflag:s4] =	dma.local [hbm:s3], $0xF7A  }
0x26: {  	[smem:$0x3F99] =	sst s1;
	(tag) =	ssettag s2;
	_ =	strace s9  }
0x27: {  	s1 =	sld [smem:$0x3FA9]  }
0x28: {  	s2 =	sld [smem:$0x3FAA]  }
0x29: {  	s4 =	sld [smem:$0x3FAC]  }
0x2a: {  	p0 =	seq.s32 s5, $0x0;
	s5 =	sld [smem:$0x3FAD]  }
0x2b: {  	s6 =	sld [smem:$0x3FAE]  }
0x2c: {  	s7 =	sld [smem:$0x3FAF]  }
0x2d: {  	s3 =	simm.s32 $0x108;
	s8 =	sld [smem:$0x3FB0]  }
0x2e: {  	s3 =	simm.s32 @!p0 $0x1082;
	s9 =	sld [smem:$0x3FB1]  }
0x2f: {  	lr =	sadd.s32 s0, s3;
	s0 =	sld [smem:$0x3FA8]  }
0x30: {  	s3 =	sld [smem:$0x3FAB]  }
0x31: {  	[smem:$0x3FB4] =	sst s10  }
0x32: {  	s10 =	sld [smem:$0x3FB2];
	_ =	sdelay $0x3  }
0x33: {  	p0 =	seq.s32 s10, $0x1;
	s10 =	sld [smem:$0x3FB4];
	_ =	sdelay $0x3  }
0x34: {  	[smem:$0x3FB4] =	sst s10  }
0x35: {  	s10 =	sld [smem:$0x3FB3];
	_ =	sdelay $0x3  }
0x36: {  	p1 =	seq.s32 s10, $0x1;
	s10 =	sld [smem:$0x3FB4];
	_ =	sdelay $0x3  }
0x37: {  	[smem:$0x3FB4] =	sst s10  }
0x38: {  	s10 =	sld [smem:$0x3FB5]  }
0x39: {  	_ = 	snop;
	(pc) =	sbr.ind lr, $3  }
0x3a: {  	_ = 	snop  }
0x3b: {  	_ = 	snop  }
0x3c: {  	p2 =	seq.s32 s10, $0x1;
	s10 =	sld [smem:$0x3FB4]  }
0x3d: {  	_ =	shalt  }
0x3e: {  	_ =	shalt  }
0x3f: {  	_ =	shalt  }
0x40: {  	_ =	shalt  }
0x41: {  	_ =	shalt  }
0x42: {  	_ =	shalt  }
0x43: {  	_ =	shalt  }
0x44: {  	_ =	shalt  }
0x45: {  	_ =	shalt  }
0x46: {  	_ =	shalt  }
0x47: {  	_ =	shalt  }
0x48: {  	_ =	shalt  }
0x49: {  	_ =	shalt  }
0x4a: {  	_ =	shalt  }
0x4b: {  	_ =	shalt  }
0x4c: {  	_ =	shalt  }
0x4d: {  	_ =	shalt  }
0x4e: {  	_ =	shalt  }
0x4f: {  	_ =	shalt  }
0x50: {  	_ =	shalt  }
0x51: {  	_ =	shalt  }
0x52: {  	_ =	shalt  }
0x53: {  	_ =	shalt  }
0x54: {  	_ =	shalt  }
0x55: {  	_ =	shalt  }
0x56: {  	_ =	shalt  }
0x57: {  	_ =	shalt  }
0x58: {  	_ =	shalt  }
0x59: {  	_ =	shalt  }
0x5a: {  	_ =	shalt  }
0x5b: {  	_ =	shalt  }
0x5c: {  	_ =	shalt  }
0x5d: {  	_ =	shalt  }
0x5e: {  	_ =	shalt  }
0x5f: {  	_ =	shalt  }
0x60: {  	_ =	shalt  }
0x61: {  	_ =	shalt  }
0x62: {  	_ =	shalt  }
0x63: {  	_ =	shalt  }
0x64: {  	_ =	shalt  }
0x65: {  	_ =	shalt  }
0x66: {  	_ =	shalt  }
0x67: {  	_ =	shalt  }
0x68: {  	_ =	shalt  }
0x69: {  	_ =	shalt  }
0x6a: {  	_ =	shalt  }
0x6b: {  	_ =	shalt  }
0x6c: {  	_ =	shalt  }
0x6d: {  	_ =	shalt  }
0x6e: {  	_ =	shalt  }
0x6f: {  	_ =	shalt  }
0x70: {  	_ =	shalt  }
0x71: {  	_ =	shalt  }
0x72: {  	_ =	shalt  }
0x73: {  	_ =	shalt  }
0x74: {  	_ =	shalt  }
0x75: {  	_ =	shalt  }
0x76: {  	_ =	shalt  }
0x77: {  	_ =	shalt  }
0x78: {  	_ =	shalt  }
0x79: {  	_ =	shalt  }
0x7a: {  	_ =	shalt  }
0x7b: {  	_ =	shalt  }
0x7c: {  	_ =	shalt  }
0x7d: {  	_ =	shalt  }
0x7e: {  	_ =	shalt  }
0x7f: {  	_ =	shalt  }
0x80: {  	_ =	shalt  }
0x81: {  	_ =	shalt  }
0x82: {  	_ =	shalt  }
0x83: {  	_ =	shalt  }
0x84: {  	_ =	shalt  }
0x85: {  	_ =	shalt  }
0x86: {  	_ =	shalt  }
0x87: {  	_ =	shalt  }
.Lfunc_end0:
.L_simem_size_0:
called_computation.1_lowered:
.L_overlay_start_0:
0x88: {  	s2 =	sld [smem:$0x3FD9]  }
0x89: {  	s3 =	sld [smem:$0x3FFE];
	_ =	sdelay $0x1  }
0x8a: {  	s1 =	srdreg.scid  }
0x8b: {  	s0 =	sand.u32 $0x1, s1  }
0x8c: {  	s17 =	sshll.u32 s0, $0xA;
	s2 =	sadd.s32 s3, s2  }
0x8d: {  	s2 =	sadd.s32 s2, s17  }
0x8e: {  	[smem:$0x3FC0] =	sst s2  }
0x8f: {  	_ = 	snop  }
0x90: {  	s2 =	sld [smem:$0x3FD0];
	(tm) =	ssettm $0x1  }
0x91: {  	s18 =	sld [smem:$0x3FFB];
	_ =	sdelay $0x3  }
0x92: {  	_ =	strace s18  }
0x93: {  	s3 =	sld [smem:$0x3FFC];
	_ =	sdelay $0x3  }
0x94: {  	_ =	strace s3  }
0x95: {  	s3 =	sld [smem:$0x3FFD];
	_ =	sdelay $0x3  }
0x96: {  	_ =	strace s3  }
0x97: {  	_ =	strace $0x8FFFFFFF  }
0x98: {  	s19 =	sld [smem:$0x3FDB];
	_ =	sdelay $0x1  }
0x99: {  	s4 =	simm.s32 $_scs_section_size  }
0x9a: {  	s5 =	simm.s32 $_size__tile_overlayer_lowered;
	s6 =	simm.s32 $_tile_overlayer_lowered  }
0x9b: {  	s22 =	simm.s32 $0x1BFF;
	s21 =	sshll.u32 s6, $0x1;
	s3 =	sadd.s32 s4, s19  }
0x9c: {  	s7 =	simm.s32 $0x0;
	s20 =	sshll.u32 s5, $0x1;
	s5 =	sadd.s32 s21, s3  }
0x9d: {  	[timem:s7], [sflag:s22] =	dma.local [hbm:s5], s20  }
0x9e: {  	_ =	swait.ge [sflag:s22], s20  }
0x9f: {  	s4 =	ssub.s32 $0x0, s20;
	[sflag:s22] =	ssyncset.done $0x0  }
0xa0: {  	[sflag:s22] =	ssyncadd.s32 s4;
	_ =	sdelay $0x1  }
0xa1: {  	s23 =	simm.s32 $0x1B8B  }
0xa2: {  	_ =	swait.ge [sflag:s23], $0x1  }
0xa3: {  	[sflag:s23] =	ssyncset.done $0x0  }
0xa4: {  	s25 =	simm.s32 $0x1B8E;
	s24 =	sld [smem:$0x3FFE];
	[sflag:s23] =	ssyncadd.s32 $0xFFFFFFFF  }
0xa5: {  	s26 =	simm.s32 $execute0_lowered;
	[smem:$0x3FD2] =	sst s25  }
0xa6: {  	s5 =	sshll.u32 s26, $0x1;
	_ =	strace $0x80000049;
	[dreg:$0x1] =	wrdreg $0xFFFFFFFF  }
0xa7: {  	s28 =	simm.s32 $_size_execute0_lowered;
	s3 =	sadd.s32 s3, s5;
	[dreg:$0x0] =	wrdreg $0x0  }
0xa8: {  	s5 =	sshll.u32 s28, $0x1;
	[dreg:$0x2] =	wrdreg s3  }
0xa9: {  	[dreg:$0x3] =	wrdreg s5  }
0xaa: {  	[dreg:$0x4] =	wrdreg $0xC0  }
0xab: {  	_ =	task [dreg:s7], $0x5FFFF  }
0xac: {  	[dreg:$0x1] =	wrdreg $0xFFFFFFFF  }
0xad: {  	[dreg:$0x0] =	wrdreg $0x60  }
0xae: {  	[dreg:$0x2] =	wrdreg s24  }
0xaf: {  	[dreg:$0x3] =	wrdreg s2  }
0xb0: {  	[dreg:$0x4] =	wrdreg $0x70000  }
0xb1: {  	[dreg:$0x5] =	wrdreg $0x110000  }
0xb2: {  	[dreg:$0x6] =	wrdreg $0x9  }
0xb3: {  	_ =	task.clear_ibuf [dreg:s7], $0x7FFFF;
	_ =	strace $0x90000049  }
0xb4: {  	s29 =	simm.s32 $0x9;
	_ =	strace $0x8000004B  }
0xb5: {  	_ =	swait.ge [sflag:s29], $0x1  }
0xb6: {  	[sflag:s29] =	ssyncadd.s32 $0xFFFFFFFF  }
0xb7: {  	_ =	strace $0x9000004B  }
0xb8: {  	_ =	sfence  }
0xb9: {  	s30 =	sld [smem:$0x0];
	_ =	sdelay $0x2  }
0xba: {  	s31 =	sshll.u32 s1, $0xD;
	s1 =	sshrl.u32 s1, $0x2  }
0xbb: {  	s3 =	sand.u32 $0x4000, s31;
	s1 =	sadd.s32 s1, s30  }
0xbc: {  	s0 =	sor.u32 s3, s0;
	s1 =	sshll.u32 s1, $0x11  }
0xbd: {  	s0 =	sor.u32 s1, s0  }
0xbe: {  	s0 =	sadd.s32 $0x8F2B, s0  }
0xbf: {  	[sflag:s0] =	ssyncadd.remote.s32 $0x1  }
0xc0: {  	_ =	sfence.sel $0xFFFF  }
0xc1: {  	[dreg:$0x0] =	wrdreg $0xFFFFFFFF;
	(pc) =	sbr.abs _section_cstart, $3  }
0xc2: {  	[dreg:$0x1] =	wrdreg $0xFFFFFFFF  }
0xc3: {  	_ =	task.clear_ibuf [dreg:s7], $0x2FFFF;
	_ =	strace $0x9FFFFFFF  }
0xc4: {  	(tm) =	ssettm $0x7FFFFFFF  }
0xc5: {  	_ =	shalt  }
tec
execute0_lowered:
.L_overlay_start_1:
0x0: {  	(tag) =	ssettag $0x1  }
0x1: {  	s0 =	rddreg [dreg:$0x0]  }
0x2: {  	s1 =	rddreg [dreg:$0x1]  }
0x3: {  	s2 =	rddreg [dreg:$0x2];
	s4 =	srdreg.scid  }
0x4: {  	s11 =	stileid.u32;
	s3 =	rddreg [dreg:$0x3];
	s5 =	sand.u32 $0x1, s4  }
0x5: {  	s6 =	sshll.u32 s11, $0x1;
	s4 =	simm.s32 $0x0;
	s10 =	smul.u32 $0x28000, s11  }
0x6: {  	s8 =	sadd.s32 $0x1400, s0;
	s12 =	sadd.s32 $0x15400, s0;
	s22 =	smul.u32 $0xA000, s11  }
0x7: {  	s6 =	sor.u32 s5, s6;
	[smem:$0x7FF] =	sst s4;
	s19 =	smul.u32 $0x14000, s5  }
0x8: {  	s5 =	ssub.s32 $0x2, s5;
	s7 =	smul.u32 $0x500, s6;
	_ =	strace $0x8000004A  }
0x9: {  	[dreg:$0x5] =	wrdreg s12;
	s20 =	sshrl.u32 s5, $0x1;
	s21 =	sshrl.u32 s10, $0x2  }
0xa: {  	s24 =	sadd.s32 s22, s2;
	s25 =	sadd.s32 $0x2000, s22;
	s11 =	sshrl.u32 s22, $0x3  }
0xb: {  	s13 =	sadd.s32 s22, s3;
	s15 =	sadd.s32 $0x4000, s22;
	s16 =	sadd.s32 $0x6000, s22  }
0xc: {  	s10 =	simm.s32 $0x2;
	s5 =	ssub.s32 s5, s20;
	[dreg:$0x8] =	wrdreg s24  }
0xd: {  	s6 =	sadd.s32 s21, s2;
	s12 =	sshrl.u32 s25, $0x3;
	[dreg:$0xa] =	wrdreg s11  }
0xe: {  	[dreg:$0xd] =	wrdreg s13;
	s20 =	sadd.s32 $0x8000, s22;
	s17 =	sshrl.u32 s15, $0x3  }
0xf: {  	s18 =	sshrl.u32 s16, $0x3;
	s24 =	sadd.s32 s25, s2;
	s28 =	sadd.s32 s16, s3  }
0x10: {  	s29 =	sadd.s32 s16, s2;
	s9 =	sadd.s32 s7, s0;
	s0 =	sadd.s32 s19, s0  }
0x11: {  	s1 =	sadd.s32 s1, s7;
	s7 =	smax.u32 s5, $0x1;
	[dreg:$0xb] =	wrdreg s12  }
0x12: {  	s14 =	sadd.s32 s8, s12;
	s19 =	sshrl.u32 s20, $0x3;
	s26 =	sadd.s32 s8, s17  }
0x13: {  	s21 =	sadd.s32 s8, s18;
	s30 =	sadd.s32 s20, s3;
	[dreg:$0x6] =	wrdreg s1  }
0x14: {  	s31 =	sadd.s32 s20, s2;
	s5 =	sadd.s32 $0x6000, s6;
	[dreg:$0x9] =	wrdreg s7  }
0x15: {  	s23 =	sadd.s32 $0x33400, s9;
	s9 =	sadd.s32 $0x3D400, s0;
	[dreg:$0xe] =	wrdreg s14  }
0x16: {  	s1 =	sadd.s32 s8, s11;
	[dreg:$0xf] =	wrdreg s26;
	s22 =	sadd.s32 s8, s19  }
0x17: {  	s26 =	sadd.s32 s15, s2;
	s0 =	sadd.s32 $0x4000, s6;
	s7 =	sadd.s32 $0x8000, s6  }
0x18: {  	s8 =	simm.s32 $0x5000;
	s11 =	simm.s32 $0x80;
	[dreg:$0x7] =	wrdreg s23  }
0x19: {  	s14 =	simm.s32 $0x1;
	[dreg:$0xc] =	wrdreg s1;
	s23 =	sadd.s32 s25, s3  }
0x1a: {  	s25 =	sadd.s32 s15, s3;
	s1 =	sadd.s32 $0x2000, s6;
	s15 =	simm.s32 $0x0  }
.LBB2_1:
0x1b: {  	s12 =	rddreg [dreg:$0x5]  }
0x1c: {  	[tilespmem:s8], [sflag:$0x2] =	stream.linear.gather [hbm4b:s12+s4], $0x2000, $0x38;
	[tilespmem:$0x1B000] =	vst v63  }
0x1d: {  	_ =	swait.ge [sflag:s10], $0x2000  }
0x1e: {  	[sflag:s10] =	ssyncset.done $0x0  }
0x1f: {  	[sflag:s10] =	ssyncadd.s32 $0xFFFFE000  }
0x20: {  	[spmem:s6] =	stream.linear.scatter [tilespmem:s8], [sflag:$0x2], $0x2000, $0x38;
	[tilespmem:$0x1B000] =	vst v63  }
0x21: {  	_ =	swait.ge [sflag:s10], $0x2000  }
0x22: {  	[sflag:s10] =	ssyncset.done $0x0  }
0x23: {  	[sflag:s10] =	ssyncadd.s32 $0xFFFFE000  }
0x24: {  	[spmem:s1] =	stream.linear.scatter [tilespmem:s8], [sflag:$0x2], $0x2000, $0x38;
	[tilespmem:$0x1B000] =	vst v63  }
0x25: {  	_ =	swait.ge [sflag:s10], $0x2000  }
0x26: {  	[sflag:s10] =	ssyncset.done $0x0  }
0x27: {  	[sflag:s10] =	ssyncadd.s32 $0xFFFFE000  }
0x28: {  	[spmem:s0] =	stream.linear.scatter [tilespmem:s8], [sflag:$0x2], $0x2000, $0x38;
	[tilespmem:$0x1B000] =	vst v63  }
0x29: {  	_ =	swait.ge [sflag:s10], $0x2000  }
0x2a: {  	[sflag:s10] =	ssyncset.done $0x0  }
0x2b: {  	[sflag:s10] =	ssyncadd.s32 $0xFFFFE000  }
0x2c: {  	[spmem:s5] =	stream.linear.scatter [tilespmem:s8], [sflag:$0x2], $0x2000, $0x38;
	[tilespmem:$0x1B000] =	vst v63  }
0x2d: {  	_ =	swait.ge [sflag:s10], $0x2000  }
0x2e: {  	[sflag:s10] =	ssyncset.done $0x0  }
0x2f: {  	[sflag:s10] =	ssyncadd.s32 $0xFFFFE000  }
0x30: {  	[spmem:s7] =	stream.linear.scatter [tilespmem:s8], [sflag:$0x2], $0x2000, $0x38;
	[tilespmem:$0x1B000] =	vst v63  }
0x31: {  	_ =	swait.ge [sflag:s10], $0x2000  }
0x32: {  	[sflag:s10] =	ssyncset.done $0x0  }
0x33: {  	s13 =	rddreg [dreg:$0xc];
	[sflag:s10] =	ssyncadd.s32 $0xFFFFE000  }
0x34: {  	[tilespmem:s8], [sflag:$0x2] =	stream.linear.gather [hbm4b:s13+s4], $0x2000, $0x38;
	[tilespmem:$0x1B000] =	vst v63  }
0x35: {  	_ =	swait.ge [sflag:s10], $0x2000  }
0x36: {  	[sflag:s10] =	ssyncset.done $0x0  }
0x37: {  	s16 =	rddreg [dreg:$0xd];
	[sflag:s10] =	ssyncadd.s32 $0xFFFFE000  }
0x38: {  	[spmem:s16] =	stream.linear.scatter [tilespmem:s8], [sflag:$0x2], $0x2000, $0x38;
	[tilespmem:$0x1B000] =	vst v63  }
0x39: {  	_ =	swait.ge [sflag:s10], $0x2000  }
0x3a: {  	[sflag:s10] =	ssyncset.done $0x0  }
0x3b: {  	s20 =	rddreg [dreg:$0xe];
	[sflag:s10] =	ssyncadd.s32 $0xFFFFE000  }
0x3c: {  	[tilespmem:s8], [sflag:$0x2] =	stream.linear.gather [hbm4b:s20+s4], $0x2000, $0x38;
	[tilespmem:$0x1B000] =	vst v63  }
0x3d: {  	_ =	swait.ge [sflag:s10], $0x2000  }
0x3e: {  	[sflag:s10] =	ssyncset.done $0x0  }
0x3f: {  	[sflag:s10] =	ssyncadd.s32 $0xFFFFE000  }
0x40: {  	[spmem:s23] =	stream.linear.scatter [tilespmem:s8], [sflag:$0x2], $0x2000, $0x38;
	[tilespmem:$0x1B000] =	vst v63  }
0x41: {  	_ =	swait.ge [sflag:s10], $0x2000  }
0x42: {  	[sflag:s10] =	ssyncset.done $0x0  }
0x43: {  	s13 =	rddreg [dreg:$0xf];
	[sflag:s10] =	ssyncadd.s32 $0xFFFFE000  }
0x44: {  	[tilespmem:s8], [sflag:$0x2] =	stream.linear.gather [hbm4b:s13+s4], $0x2000, $0x38;
	[tilespmem:$0x1B000] =	vst v63  }
0x45: {  	_ =	swait.ge [sflag:s10], $0x2000  }
0x46: {  	[sflag:s10] =	ssyncset.done $0x0  }
0x47: {  	[sflag:s10] =	ssyncadd.s32 $0xFFFFE000  }
0x48: {  	[spmem:s25] =	stream.linear.scatter [tilespmem:s8], [sflag:$0x2], $0x2000, $0x38;
	[tilespmem:$0x1B000] =	vst v63  }
0x49: {  	_ =	swait.ge [sflag:s10], $0x2000  }
0x4a: {  	[sflag:s10] =	ssyncset.done $0x0  }
0x4b: {  	[sflag:s10] =	ssyncadd.s32 $0xFFFFE000  }
0x4c: {  	[tilespmem:s8], [sflag:$0x2] =	stream.linear.gather [hbm4b:s21+s4], $0x2000, $0x38;
	[tilespmem:$0x1B000] =	vst v63  }
0x4d: {  	_ =	swait.ge [sflag:s10], $0x2000  }
0x4e: {  	[sflag:s10] =	ssyncset.done $0x0  }
0x4f: {  	[sflag:s10] =	ssyncadd.s32 $0xFFFFE000  }
0x50: {  	[spmem:s28] =	stream.linear.scatter [tilespmem:s8], [sflag:$0x2], $0x2000, $0x38;
	[tilespmem:$0x1B000] =	vst v63  }
0x51: {  	_ =	swait.ge [sflag:s10], $0x2000  }
0x52: {  	[sflag:s10] =	ssyncset.done $0x0  }
0x53: {  	[sflag:s10] =	ssyncadd.s32 $0xFFFFE000  }
0x54: {  	[tilespmem:s8], [sflag:$0x2] =	stream.linear.gather [hbm4b:s22+s4], $0x2000, $0x38;
	[tilespmem:$0x1B000] =	vst v63  }
0x55: {  	_ =	swait.ge [sflag:s10], $0x2000  }
0x56: {  	[sflag:s10] =	ssyncset.done $0x0  }
0x57: {  	[sflag:s10] =	ssyncadd.s32 $0xFFFFE000  }
0x58: {  	[spmem:s30] =	stream.linear.scatter [tilespmem:s8], [sflag:$0x2], $0x2000, $0x38;
	[tilespmem:$0x1B000] =	vst v63  }
0x59: {  	_ =	swait.ge [sflag:s10], $0x2000  }
0x5a: {  	[sflag:s10] =	ssyncset.done $0x0  }
0x5b: {  	[sflag:s10] =	ssyncadd.s32 $0xFFFFE000  }
0x5c: {  	[bflag:$0x0] =	sbarrier.arrive $0xFFFF  }
0x5d: {  	s16 =	rddreg [dreg:$0x6]  }
0x5e: {  	[tilespmem:s4], [sflag:$0x2] =	stream.linear.gather [hbm4b:s16+s4], $0x2800, $0x38;
	[tilespmem:$0x1B000] =	vst v63  }
0x5f: {  	_ =	swait.ge [sflag:s10], $0x2800  }
0x60: {  	[sflag:s10] =	ssyncset.done $0x0  }
0x61: {  	s13 =	simm.s32 $0x2800;
	s20 =	rddreg [dreg:$0x7];
	[sflag:s10] =	ssyncadd.s32 $0xFFFFD800  }
0x62: {  	[tilespmem:s13], [sflag:$0x2] =	stream.linear.gather [hbm4b:s20+s4], $0x2800, $0x38;
	[tilespmem:$0x1B000] =	vst v63  }
0x63: {  	_ =	swait.ge [sflag:s10], $0x2800  }
0x64: {  	[sflag:s10] =	ssyncset.done $0x0  }
0x65: {  	s16 =	simm.s32 $0x0;
	[sflag:s10] =	ssyncadd.s32 $0xFFFFD800  }
0x66: {  	[tilespmem:s8], [sflag:$0x1] =	stream.indirect.gather [spmem:s3], $0x40, s16, s11, $0xb8;
	[tilespmem:$0x1B000] =	vst v63  }
0x67: {  	_ =	swait.ge [sflag:s14], $0x2000  }
0x68: {  	[sflag:s14] =	ssyncset.done $0x0  }
0x69: {  	s20 =	simm.s32 $0x2800;
	[sflag:s14] =	ssyncadd.s32 $0xFFFFE000  }
0x6a: {  	[spmem:s2] =	stream.indirect.scatter.add.f32 [tilespmem:s8], [sflag:$0x2], $0x40, s20, s11, $0xb8;
	[tilespmem:$0x1B000] =	vst v63  }
0x6b: {  	_ =	swait.ge [sflag:s10], $0x2000  }
0x6c: {  	s12 =	simm.s32 $0x400;
	s16 =	simm.s32 $0x200;
	[sflag:s10] =	ssyncset.done $0x0  }
.LBB2_2:
0x6d: {  	s13 =	sshra.s32 s16, $0x2  }
0x6e: {  	[sflag:s10] =	ssyncadd.s32 $0xFFFFE000;
	s16 =	smov.u32 s12;
	s20 =	sadd.s32 $0x200, s12  }
0x6f: {  	[tilespmem:s8], [sflag:$0x1] =	stream.indirect.gather [spmem:s3], $0x40, s13, s11, $0xb8;
	[tilespmem:$0x1B000] =	vst v63  }
0x70: {  	p0 =	sne.s32 s12, $0x9E00;
	_ =	swait.ge [sflag:s14], $0x2000  }
.Ltmp0:
0x71: {  	[sflag:s14] =	ssyncset.done $0x0;
	(pc) =	sbr.rel @p0 .LBB2_2-.Ltmp0, $4  }
0x72: {  	s12 =	sadd.s32 $0x2800, s13;
	[sflag:s14] =	ssyncadd.s32 $0xFFFFE000  }
0x73: {  	[spmem:s2] =	stream.indirect.scatter.add.f32 [tilespmem:s8], [sflag:$0x2], $0x40, s12, s11, $0xb8;
	[tilespmem:$0x1B000] =	vst v63  }
0x74: {  	_ =	swait.ge [sflag:s10], $0x2000  }
0x75: {  	s12 =	smov.u32 s20;
	[sflag:s10] =	ssyncset.done $0x0  }
0x76: {  	s12 =	sshra.s32 s16, $0x2;
	[sflag:s10] =	ssyncadd.s32 $0xFFFFE000  }
0x77: {  	[tilespmem:s8], [sflag:$0x1] =	stream.indirect.gather [spmem:s3], $0x40, s12, s11, $0xb8;
	[tilespmem:$0x1B000] =	vst v63  }
0x78: {  	_ =	swait.ge [sflag:s14], $0x2000  }
0x79: {  	[sflag:s14] =	ssyncset.done $0x0  }
0x7a: {  	s12 =	sadd.s32 $0x2800, s12;
	[sflag:s14] =	ssyncadd.s32 $0xFFFFE000  }
0x7b: {  	[spmem:s2] =	stream.indirect.scatter.add.f32 [tilespmem:s8], [sflag:$0x2], $0x40, s12, s11, $0xb8;
	[tilespmem:$0x1B000] =	vst v63  }
0x7c: {  	_ =	swait.ge [sflag:s10], $0x2000  }
0x7d: {  	[sflag:s10] =	ssyncset.done $0x0  }
0x7e: {  	[sflag:s10] =	ssyncadd.s32 $0xFFFFE000  }
0x7f: {  	[bflag:$0x0] =	sbarrier.arrive $0xFFFF  }
0x80: {  	s20 =	rddreg [dreg:$0x8]  }
0x81: {  	[tilespmem:s8], [sflag:$0x2] =	stream.linear.gather [spmem:s20], $0x2000, $0x38;
	[tilespmem:$0x1B000] =	vst v63  }
0x82: {  	_ =	swait.ge [sflag:s10], $0x2000  }
0x83: {  	[sflag:s10] =	ssyncset.done $0x0;
	s13 =	rddreg [dreg:$0xa]  }
0x84: {  	[sflag:s10] =	ssyncadd.s32 $0xFFFFE000;
	s12 =	sadd.s32 s13, s9  }
0x85: {  	[hbm4b:s12+s4] =	stream.linear.scatter [tilespmem:s8], [sflag:$0x2], $0x2000, $0x38;
	[tilespmem:$0x1B000] =	vst v63  }
0x86: {  	_ =	swait.ge [sflag:s10], $0x2000  }
0x87: {  	[sflag:s10] =	ssyncset.done $0x0  }
0x88: {  	[sflag:s10] =	ssyncadd.s32 $0xFFFFE000  }
0x89: {  	[tilespmem:s8], [sflag:$0x2] =	stream.linear.gather [spmem:s24], $0x2000, $0x38;
	[tilespmem:$0x1B000] =	vst v63  }
0x8a: {  	_ =	swait.ge [sflag:s10], $0x2000  }
0x8b: {  	[sflag:s10] =	ssyncset.done $0x0;
	s16 =	rddreg [dreg:$0xb]  }
0x8c: {  	[sflag:s10] =	ssyncadd.s32 $0xFFFFE000;
	s12 =	sadd.s32 s16, s9  }
0x8d: {  	[hbm4b:s12+s4] =	stream.linear.scatter [tilespmem:s8], [sflag:$0x2], $0x2000, $0x38;
	[tilespmem:$0x1B000] =	vst v63  }
0x8e: {  	_ =	swait.ge [sflag:s10], $0x2000  }
0x8f: {  	[sflag:s10] =	ssyncset.done $0x0  }
0x90: {  	[sflag:s10] =	ssyncadd.s32 $0xFFFFE000  }
0x91: {  	[tilespmem:s8], [sflag:$0x2] =	stream.linear.gather [spmem:s26], $0x2000, $0x38;
	[tilespmem:$0x1B000] =	vst v63  }
0x92: {  	_ =	swait.ge [sflag:s10], $0x2000  }
0x93: {  	[sflag:s10] =	ssyncset.done $0x0  }
0x94: {  	s20 =	sadd.s32 s17, s9;
	[sflag:s10] =	ssyncadd.s32 $0xFFFFE000  }
0x95: {  	[hbm4b:s20+s4] =	stream.linear.scatter [tilespmem:s8], [sflag:$0x2], $0x2000, $0x38;
	[tilespmem:$0x1B000] =	vst v63  }
0x96: {  	_ =	swait.ge [sflag:s10], $0x2000  }
0x97: {  	[sflag:s10] =	ssyncset.done $0x0  }
0x98: {  	[sflag:s10] =	ssyncadd.s32 $0xFFFFE000  }
0x99: {  	[tilespmem:s8], [sflag:$0x2] =	stream.linear.gather [spmem:s29], $0x2000, $0x38;
	[tilespmem:$0x1B000] =	vst v63  }
0x9a: {  	_ =	swait.ge [sflag:s10], $0x2000  }
0x9b: {  	[sflag:s10] =	ssyncset.done $0x0  }
0x9c: {  	s13 =	sadd.s32 s18, s9;
	[sflag:s10] =	ssyncadd.s32 $0xFFFFE000  }
0x9d: {  	[hbm4b:s13+s4] =	stream.linear.scatter [tilespmem:s8], [sflag:$0x2], $0x2000, $0x38;
	[tilespmem:$0x1B000] =	vst v63  }
0x9e: {  	_ =	swait.ge [sflag:s10], $0x2000  }
0x9f: {  	[sflag:s10] =	ssyncset.done $0x0  }
0xa0: {  	[sflag:s10] =	ssyncadd.s32 $0xFFFFE000  }
0xa1: {  	[tilespmem:s8], [sflag:$0x2] =	stream.linear.gather [spmem:s31], $0x2000, $0x38;
	[tilespmem:$0x1B000] =	vst v63  }
0xa2: {  	_ =	swait.ge [sflag:s10], $0x2000  }
0xa3: {  	[sflag:s10] =	ssyncset.done $0x0  }
0xa4: {  	s16 =	sadd.s32 s19, s9;
	[sflag:s10] =	ssyncadd.s32 $0xFFFFE000  }
0xa5: {  	[hbm4b:s16+s4] =	stream.linear.scatter [tilespmem:s8], [sflag:$0x2], $0x2000, $0x38;
	[tilespmem:$0x1B000] =	vst v63  }
0xa6: {  	_ =	swait.ge [sflag:s10], $0x2000  }
0xa7: {  	s15 =	sadd.s32 $0x1, s15;
	s20 =	rddreg [dreg:$0x9]  }
0xa8: {  	p0 =	sne.s32 s15, s20  }
.Ltmp1:
0xa9: {  	_ = 	snop;
	(pc) =	sbr.rel @p0 .LBB2_1-.Ltmp1, $3  }
0xaa: {  	_ =	sdelay $0x1  }
0xab: {  	[sflag:s10] =	ssyncset.done $0x0  }
0xac: {  	[sflag:s10] =	ssyncadd.s32 $0xFFFFE000  }
0xad: {  	_ =	sfence.sel $0x180000  }
0xae: {  	[bflag:$0x0] =	sbarrier.arrive $0xFFFF  }
0xaf: {  	_ =	strace $0x9000004A  }
0xb0: {  	s0 =	stileid.u32;
	[bflag:$0x2] =	sbarrier.arrive $0xFFFF  }
0xb1: {  	p0 =	sne.s32 s0, $0x0;
	s0 =	rddreg [dreg:$0x4]  }
0xb2: {  	s0 =	sadd.s32 @!p0 $0x100000, s0  }
0xb3: {  	[sflag:s0] =	ssyncadd.tile.s32 @!p0 $0x1;
	_ =	shalt  }
.Lfunc_end2:
_tile_overlayer_lowered:
.L_overlay_start_2:
0xb4: {  	(tag) =	ssettag $0x2  }
0xb5: {  	s0 =	rddreg [dreg:$0x0];
	s2 =	stileid.u32  }
0xb6: {  	s1 =	rddreg [dreg:$0x1];
	p0 =	sne.s32 s2, $0x0  }
0xb7: {  	s3 =	rddreg [dreg:$0x2];
	[bflag:$0x3] =	sbarrier.arrive $0xFFFF;
	s2 =	simm.s32 @!p0 $0x1C02  }
0xb8: {  	[timem:s3], [sflag:s2] =	dma.local @!p0 [hbm:s0], s1  }
0xb9: {  	s0 =	simm.s32 @!p0 $0x2  }
0xba: {  	_ =	swait.ge @!p0 [sflag:s0], s1  }
0xbb: {  	s1 =	ssub.s32 @!p0 $0x0, s1;
	[sflag:s0] =	ssyncset.done @!p0 $0x0  }
0xbc: {  	[sflag:s0] =	ssyncadd.s32 @!p0 s1  }
0xbd: {  	[bflag:$0x3] =	sbarrier.arrive $0xFFFF  }
0xbe: {  	_ =	shalt  }

</sc_bundles>
